<compile_context>
chip_gen: v7x
topology: tpu7x:2x2x1
jax: 0.10.2.dev20260603
libtpu: 0.0.44.dev20260713+nightly
codegen_flags: <defaults>
</compile_context>

<pallas_src>
import functools
import jax
import jax.numpy as jnp
from jax import lax
from jax.experimental import pallas as pl
from jax.experimental.pallas import tpu as pltpu

D_MODEL = 768
N_HEADS = 12
D_K = D_MODEL // N_HEADS
GRID = 24
N_TOK = GRID * GRID + 1
TOP_K = 32
BATCH = 8

_PREC = lax.Precision.HIGHEST
_NEG_INF = float("-inf")
_L_PAD = 592
_SC_LANES = 16
_N_CHUNK = _L_PAD // _SC_LANES


def _proj_body(x_ref, wq_ref, wk_ref, wv_ref, bq_ref, bk_ref, bv_ref,
               q_ref, k_ref, v_ref, keep_ref):
    xb = x_ref[0]
    fulls = []
    for w_ref, b_ref, o_ref in ((wq_ref, bq_ref, q_ref),
                                (wk_ref, bk_ref, k_ref),
                                (wv_ref, bv_ref, v_ref)):
        fullt = lax.dot_general(w_ref[...], xb, (((1,), (1,)), ((), ())),
                                preferred_element_type=jnp.float32,
                                precision=lax.Precision.DEFAULT)
        fullt = fullt + b_ref[...]
        fulls.append(fullt)
        for h in range(N_HEADS):
            o_ref[0, h] = fullt[h * D_K:(h + 1) * D_K, :]

    full_qt, full_kt = fulls[0], fulls[1]
    drow = lax.broadcasted_iota(jnp.int32, (D_MODEL, N_HEADS), 0)
    hlane = lax.broadcasted_iota(jnp.int32, (D_MODEL, N_HEADS), 1)
    hd_mask = (drow // D_K) == hlane
    q0c = full_qt[:, 0:1]
    mq = jnp.where(hd_mask, q0c, 0.0)
    qk0 = lax.dot_general(mq, full_kt, (((0,), (0,)), ((), ())),
                          preferred_element_type=jnp.float32,
                          precision=_PREC)
    kn0 = lax.dot_general(jnp.where(hd_mask, 1.0, 0.0),
                          full_kt * full_kt, (((0,), (0,)), ((), ())),
                          preferred_element_type=jnp.float32,
                          precision=_PREC)
    qn0 = lax.dot_general(mq, q0c, (((0,), (0,)), ((), ())),
                          preferred_element_type=jnp.float32,
                          precision=_PREC)
    dist0 = qn0 + kn0 - 2.0 * qk0
    dist0 = jnp.maximum(dist0, 0.0)
    pad = jnp.full((N_HEADS, _L_PAD - N_TOK), 3.0e38, dtype=jnp.float32)
    padded = jnp.concatenate([dist0, pad], axis=1)
    keep_ref[0, :, 0, :] = lax.bitcast_convert_type(padded, jnp.int32)


def _qkv_project(x, W_q, b_q, W_k, b_k, W_v, b_v):
    B, L, D = x.shape
    grid = (B,)
    wspec = pl.BlockSpec((D, D), lambda b: (0, 0))
    bspec = pl.BlockSpec((D, 1), lambda b: (0, 0))
    hspec = pl.BlockSpec((1, N_HEADS, D_K, L), lambda b: (b, 0, 0, 0))
    return pl.pallas_call(
        _proj_body,
        grid=grid,
        in_specs=[
            pl.BlockSpec((1, L, D), lambda b: (b, 0, 0)),
            wspec, wspec, wspec, bspec, bspec, bspec,
        ],
        out_specs=[hspec, hspec, hspec,
                   pl.BlockSpec((1, N_HEADS, 1, _L_PAD),
                                lambda b: (b, 0, 0, 0))],
        out_shape=[jax.ShapeDtypeStruct((B, N_HEADS, D_K, L), jnp.float32)] * 3
        + [jax.ShapeDtypeStruct((B, N_HEADS, 1, _L_PAD), jnp.int32)],
    )(x, W_q, W_k, W_v, b_q.reshape(D, 1), b_k.reshape(D, 1),
      b_v.reshape(D, 1))


def _sc_topk(dist):
    from jax.experimental.pallas import tpu_sc as plsc

    G = dist.shape[0]
    info = plsc.get_sparse_core_info()
    nw = info.num_cores * info.num_subcores
    rows_per_w = (G + nw - 1) // nw
    mesh = plsc.VectorSubcoreMesh(core_axis_name="c", subcore_axis_name="s")

    @functools.partial(
        pl.kernel, mesh=mesh,
        out_type=jax.ShapeDtypeStruct((G, _L_PAD), jnp.float32),
        scratch_types=[pltpu.VMEM((_L_PAD,), jnp.int32),
                       pltpu.VMEM((_L_PAD,), jnp.float32),
                       pltpu.VMEM((2 * _SC_LANES,), jnp.int32)],
    )
    def k(d_hbm, keep_hbm, dbuf, kbuf, cbuf):
        wid = lax.axis_index("s") * info.num_cores + lax.axis_index("c")

        def row_body(r, _):
            g = wid * rows_per_w + r
            g = jnp.where(g < G, g, 0)
            pltpu.sync_copy(d_hbm.at[g], dbuf)

            def bit_body(i, acc):
                cand = acc | (jnp.int32(1) << (jnp.int32(30) - i))

                def chunk_body(c, cnt):
                    v = dbuf[pl.ds(c * _SC_LANES, _SC_LANES)]
                    return cnt + jnp.where(v <= cand, 1, 0)

                cnt = lax.fori_loop(0, _N_CHUNK, chunk_body,
                                    jnp.zeros((_SC_LANES,), dtype=jnp.int32))
                for s in (8, 4, 2, 1):
                    cbuf[pl.ds(0, _SC_LANES)] = cnt
                    cbuf[pl.ds(_SC_LANES, _SC_LANES)] = cnt
                    cnt = cnt + cbuf[pl.ds(s, _SC_LANES)]
                return jnp.where(cnt >= TOP_K, acc, cand)

            acc = lax.fori_loop(0, 31, bit_body,
                                jnp.zeros((_SC_LANES,), dtype=jnp.int32))
            thr = acc + 1

            def keep_body(c, _):
                v = dbuf[pl.ds(c * _SC_LANES, _SC_LANES)]
                kbuf[pl.ds(c * _SC_LANES, _SC_LANES)] = jnp.where(
                    v <= thr, 1.0, 0.0)
                return 0

            lax.fori_loop(0, _N_CHUNK, keep_body, 0)
            pltpu.sync_copy(kbuf, keep_hbm.at[g])
            return 0

        lax.fori_loop(0, rows_per_w, row_body, 0)

    return k(dist)


def _attn_body(sig_ref, q_ref, k_ref, v_ref, keep_ref, valid_ref, wo_ref,
               bo_ref, w_out_ref, am_ref, out_ref):
    h = pl.program_id(1)
    L = N_TOK
    qt = q_ref[0, 0]
    kt = k_ref[0, 0]
    vt = v_ref[0, 0]
    coef = -0.5 * jnp.exp(-2.0 * sig_ref[0])

    ones_col = jnp.ones((D_K, 1), dtype=jnp.float32)
    qn = lax.dot_general(qt * qt, ones_col, (((0,), (0,)), ((), ())),
                         preferred_element_type=jnp.float32,
                         precision=_PREC)
    kn_row = lax.dot_general(ones_col, kt * kt, (((0,), (0,)), ((), ())),
                             preferred_element_type=jnp.float32,
                             precision=_PREC)
    qk = lax.dot_general(qt, kt, (((0,), (0,)), ((), ())),
                         preferred_element_type=jnp.float32,
                         precision=_PREC)
    dist = qn + kn_row - 2.0 * qk
    scores = jnp.minimum(coef * dist, 0.0)

    keep0 = keep_ref[0, 0][:, :N_TOK]
    icol = lax.broadcasted_iota(jnp.int32, (L, 1), 0)
    dead = (valid_ref[...] == 0.0) | ((icol == 0) & (keep0 <= 0.0))
    s_final = jnp.where(dead, _NEG_INF, scores)

    m = jnp.max(s_final, axis=1, keepdims=True)
    e = jnp.exp(s_final - m)
    z = jnp.sum(e, axis=1, keepdims=True)
    w = e * (1.0 / z)

    w_out_ref[0, 0] = w
    am_ref[0, 0] = (w > 1e-6).astype(jnp.float32)

    cons = lax.dot_general(w, vt, (((1,), (1,)), ((), ())),
                           preferred_element_type=jnp.float32,
                           precision=lax.Precision.DEFAULT)
    po = lax.dot_general(cons, wo_ref[...], (((1,), (0,)), ((), ())),
                         preferred_element_type=jnp.float32,
                         precision=lax.Precision.DEFAULT)

    @pl.when(h == 0)
    def _init():
        out_ref[0] = po + bo_ref[...]

    @pl.when(h > 0)
    def _acc():
        out_ref[0] = out_ref[0] + po


def _locality_valid_f32():
    import numpy as np
    N = N_TOK
    mask = np.zeros((N, N), dtype=np.float32)
    mask[0, :] = 1.0
    mask[:, 0] = 1.0
    idx = np.arange(GRID * GRID)
    r = idx // GRID
    c = idx % GRID
    m = (np.maximum(np.abs(r[:, None] - r[None, :]),
                    np.abs(c[:, None] - c[None, :])) <= 2)
    mask[1:, 1:] = m.astype(np.float32)
    return mask


_VALID_NP = _locality_valid_f32()


def _attention(log_sigma, Q, K, V, keep, W_o, b_o):
    B, H, Dk, L = Q.shape
    D = D_MODEL
    hspec = pl.BlockSpec((1, 1, Dk, L), lambda b, h: (b, h, 0, 0))
    lspec = pl.BlockSpec((1, 1, L, L), lambda b, h: (b, h, 0, 0))
    return pl.pallas_call(
        _attn_body,
        grid=(B, H),
        compiler_params=pltpu.CompilerParams(
            dimension_semantics=("parallel", "arbitrary")),
        in_specs=[
            pl.BlockSpec(memory_space=pltpu.SMEM),
            hspec, hspec, hspec,
            pl.BlockSpec((1, 1, 1, _L_PAD), lambda b, h: (b, h, 0, 0)),
            pl.BlockSpec((L, L), lambda b, h: (0, 0)),
            pl.BlockSpec((Dk, D), lambda b, h: (h, 0)),
            pl.BlockSpec((1, D), lambda b, h: (0, 0)),
        ],
        out_specs=[
            lspec, lspec,
            pl.BlockSpec((1, L, D), lambda b, h: (b, 0, 0)),
        ],
        out_shape=[
            jax.ShapeDtypeStruct((B, H, L, L), jnp.float32),
            jax.ShapeDtypeStruct((B, H, L, L), jnp.float32),
            jax.ShapeDtypeStruct((B, L, D), jnp.float32),
        ],
    )(log_sigma.reshape(1), Q, K, V, keep, jnp.asarray(_VALID_NP),
      W_o.T, b_o.reshape(1, D))


@jax.jit
def kernel(x, W_q, b_q, W_k, b_k, W_v, b_v, W_o, b_o, log_sigma):
    Q, K, V, dist0 = _qkv_project(x, W_q, b_q, W_k, b_k, W_v, b_v)
    keep = _sc_topk(dist0.reshape(BATCH * N_HEADS, _L_PAD))
    keep = keep.reshape(BATCH, N_HEADS, 1, _L_PAD)
    weights, amask, out = _attention(log_sigma, Q, K, V, keep, W_o, b_o)
    return out, weights, amask

# --- scband reference (transcript-rebuilt; emitter-appended) ---
"""Pipeline reference for scband-krause-vi-tattention-49143015801147 (READ-ONLY COPY).

The authoritative reference and input builder live on the scoring server;
editing this copy changes nothing except your own understanding.
"""

import jax, jax.numpy as jnp
import numpy as np

D_MODEL = 768
N_HEADS = 12
D_K = D_MODEL // N_HEADS
GRID = 24
N_TOK = GRID * GRID + 1
TOP_K = 32
BATCH = 8


def _locality_indices():
    N = N_TOK
    mask = np.zeros((N, N), dtype=bool)
    mask[0, :] = True
    mask[:, 0] = True
    idx = np.arange(GRID * GRID)
    r = idx // GRID
    c = idx % GRID
    m = np.maximum(np.abs(r[:, None] - r[None, :]), np.abs(c[:, None] - c[None, :])) <= 2
    mask[1:, 1:] = m
    ii, jj = np.nonzero(mask)
    return jnp.asarray(ii, dtype=jnp.int32), jnp.asarray(jj, dtype=jnp.int32)

_I_IDX, _J_IDX = _locality_indices()


def setup_inputs(seed: int = 0) -> dict:
    key = jax.random.key(seed)
    ks = jax.random.split(key, 10)
    s = 1.0 / np.sqrt(D_MODEL)
    inp = {}
    inp['x'] = jax.random.normal(ks[0], (BATCH, N_TOK, D_MODEL), dtype=jnp.float32)
    inp['W_q'] = jax.random.uniform(ks[1], (D_MODEL, D_MODEL), jnp.float32, -s, s)
    inp['b_q'] = jax.random.uniform(ks[2], (D_MODEL,), jnp.float32, -s, s)
    inp['W_k'] = jax.random.uniform(ks[3], (D_MODEL, D_MODEL), jnp.float32, -s, s)
    inp['b_k'] = jax.random.uniform(ks[4], (D_MODEL,), jnp.float32, -s, s)
    inp['W_v'] = jax.random.uniform(ks[5], (D_MODEL, D_MODEL), jnp.float32, -s, s)
    inp['b_v'] = jax.random.uniform(ks[6], (D_MODEL,), jnp.float32, -s, s)
    inp['W_o'] = jax.random.uniform(ks[7], (D_MODEL, D_MODEL), jnp.float32, -s, s)
    inp['b_o'] = jax.random.uniform(ks[8], (D_MODEL,), jnp.float32, -s, s)
    inp['log_sigma'] = jnp.array(np.log(1.0), dtype=jnp.float32)
    return inp


def reference(x, W_q, b_q, W_k, b_k, W_v, b_v, W_o, b_o, log_sigma):
    B, L, D = x.shape
    H = N_HEADS
    Dk = D_K
    Q = (x @ W_q.T + b_q).reshape(B, L, H, Dk).transpose(0, 2, 1, 3)
    K = (x @ W_k.T + b_k).reshape(B, L, H, Dk).transpose(0, 2, 1, 3)
    V = (x @ W_v.T + b_v).reshape(B, L, H, Dk).transpose(0, 2, 1, 3)
    sigma_sq = jnp.exp(2.0 * log_sigma)
    # gather valid (i, j) locality pairs
    q_valid = Q[:, :, _I_IDX, :]
    k_valid = K[:, :, _J_IDX, :]
    diff = q_valid - k_valid
    dist_sq_valid = jnp.sum(diff ** 2, axis=-1)
    scores_valid = (-0.5 / sigma_sq) * dist_sq_valid
    scores = jnp.full((B, H, L, L), -jnp.inf, dtype=jnp.float32)
    scores = scores.at[:, :, _I_IDX, _J_IDX].set(scores_valid)
    k_cur = min(TOP_K, L)
    _, top_k_indices = jax.lax.top_k(scores, k_cur)
    b_ix = jnp.arange(B)[:, None, None, None]
    h_ix = jnp.arange(H)[None, :, None, None]
    n_ix = jnp.arange(L)[None, None, :, None]
    topk_mask = jnp.zeros((B, H, L, L), dtype=bool)
    topk_mask = topk_mask.at[b_ix, h_ix, n_ix, top_k_indices].set(True)
    valid_scores_mask = scores != -jnp.inf
    final_mask = valid_scores_mask & topk_mask
    scores = jnp.where(final_mask, scores, -jnp.inf)
    weights = jax.nn.softmax(scores, axis=-1)
    attention_mask = (weights > 1e-06).astype(jnp.float32)
    consensus = jnp.matmul(weights.astype(V.dtype), V)
    consensus = consensus.transpose(0, 2, 1, 3).reshape(B, L, D)
    out = consensus @ W_o.T + b_o
    return (out, weights, attention_mask)

if __name__ == "__main__":
    import jax
    _d = setup_inputs()
    print(jax.jit(kernel)(*tuple(_d.values())))

</pallas_src>

<mosaic_0001>
#map = affine_map<(d0, d1) -> (0, 0)>
module attributes {stable_mosaic.version = 14 : i64} {
  func.func @k(%arg0: i32, %arg1: i32, %arg2: memref<96x592xi32, #tpu.memory_space<hbm>>, %arg3: memref<96x592xf32, #tpu.memory_space<hbm>>, %arg4: memref<592xi32, #tpu.memory_space<vmem>>, %arg5: memref<592xf32, #tpu.memory_space<vmem>>, %arg6: memref<32xi32, #tpu.memory_space<vmem>>) attributes {dimension_semantics = [#tpu.dimension_semantics<core_parallel>, #tpu.dimension_semantics<subcore_parallel>], iteration_bounds = array<i64: 2, 16>, scalar_prefetch = 0 : i64, scratch_operands = 3 : i64, tpu.core_type = #tpu.core_type<sc_vector_subcore>, window_params = [{transform_indices = #map}, {transform_indices = #map}]} {
    %mul3A = arith.constant 2 : i32
    %mul3A_0 = arith.muli %arg1, %mul3A : i32
    %add3A = arith.addi %mul3A_0, %arg0 : i32
    %scan3A = arith.constant 0 : i32
    %scan3A_1 = arith.constant 0 : i32
    %scan3A_2 = arith.constant 3 : i32
    %scan3A_3 = arith.addi %scan3A_1, %scan3A_2 : i32
    %scan3A_4 = arith.constant 1 : i32
    %scan3A_5 = scf.for %scan3A_7 = %scan3A_1 to %scan3A_3 step %scan3A_4 iter_args(%scan3A_8 = %scan3A) -> (i32)  : i32 {
      %mul3A_9 = arith.constant 3 : i32
      %mul3A_10 = arith.muli %add3A, %mul3A_9 : i32
      %add3A_11 = arith.addi %mul3A_10, %scan3A_7 : i32
      %lt3A = arith.constant 96 : i32
      %lt3A_12 = arith.cmpi slt, %add3A_11, %lt3A : i32
      %jit3A = arith.constant 0 : i32
      %select_n3A = arith.select %lt3A_12, %add3A_11, %jit3A : i32
      "tpu.region"() ({
        %run_scoped3A = tpu.sem_alloc : memref<!tpu.dma_semaphore, #tpu.memory_space<semaphore_mem>>
        %dma_start3A = arith.constant 0 : i32
        %dma_start3A_31 = tpu.memref_slice %arg2[%select_n3A, %dma_start3A] : memref<96x592xi32, #tpu.memory_space<hbm>> -> memref<1x592xi32, #tpu.memory_space<hbm>>
        %dma_start3A_32 = tpu.memref_squeeze %dma_start3A_31 : memref<1x592xi32, #tpu.memory_space<hbm>> -> memref<592xi32, #tpu.memory_space<hbm>>
        %dma_start3A_33 = arith.constant 0 : i32
        %dma_start3A_34 = tpu.memref_slice %arg2[%select_n3A, %dma_start3A_33] : memref<96x592xi32, #tpu.memory_space<hbm>> -> memref<1x592xi32, #tpu.memory_space<hbm>>
        %dma_start3A_35 = tpu.memref_squeeze %dma_start3A_34 : memref<1x592xi32, #tpu.memory_space<hbm>> -> memref<592xi32, #tpu.memory_space<hbm>>
        tpu.enqueue_dma source(%dma_start3A_35 : memref<592xi32, #tpu.memory_space<hbm>>) target(%arg4 : memref<592xi32, #tpu.memory_space<vmem>>) target_semaphore(%run_scoped3A : memref<!tpu.dma_semaphore, #tpu.memory_space<semaphore_mem>>)
        %dma_wait3A = arith.constant 0 : i32
        %dma_wait3A_36 = tpu.memref_slice %arg2[%select_n3A, %dma_wait3A] : memref<96x592xi32, #tpu.memory_space<hbm>> -> memref<1x592xi32, #tpu.memory_space<hbm>>
        %dma_wait3A_37 = tpu.memref_squeeze %dma_wait3A_36 : memref<1x592xi32, #tpu.memory_space<hbm>> -> memref<592xi32, #tpu.memory_space<hbm>>
        %dma_wait3A_38 = arith.constant 0 : i32
        %dma_wait3A_39 = tpu.memref_slice %arg2[%select_n3A, %dma_wait3A_38] : memref<96x592xi32, #tpu.memory_space<hbm>> -> memref<1x592xi32, #tpu.memory_space<hbm>>
        %dma_wait3A_40 = tpu.memref_squeeze %dma_wait3A_39 : memref<1x592xi32, #tpu.memory_space<hbm>> -> memref<592xi32, #tpu.memory_space<hbm>>
        tpu.wait_dma2 semaphore(%run_scoped3A : memref<!tpu.dma_semaphore, #tpu.memory_space<semaphore_mem>>) src(%dma_wait3A_40 : memref<592xi32, #tpu.memory_space<hbm>>) dst(%arg4 : memref<592xi32, #tpu.memory_space<vmem>>)
        tpu.yield
      }) : () -> ()
      %broadcast_in_dim3A = arith.constant 0 : i32
      %broadcast_in_dim3A_13 = vector.broadcast %broadcast_in_dim3A : i32 to vector<16xi32>
      %scan3A_14 = arith.constant 0 : i32
      %scan3A_15 = arith.constant 31 : i32
      %scan3A_16 = arith.addi %scan3A_14, %scan3A_15 : i32
      %scan3A_17 = arith.constant 1 : i32
      %scan3A_18 = scf.for %scan3A_31 = %scan3A_14 to %scan3A_16 step %scan3A_17 iter_args(%scan3A_32 = %broadcast_in_dim3A_13) -> (vector<16xi32>)  : i32 {
        %sub3A = arith.constant 30 : i32
        %sub3A_33 = arith.subi %sub3A, %scan3A_31 : i32
        %shift_left3A = arith.constant 1 : i32
        %shift_left3A_34 = arith.shli %shift_left3A, %sub3A_33 : i32
        %or3A = vector.broadcast %shift_left3A_34 : i32 to vector<16xi32>
        %or3A_35 = arith.ori %scan3A_32, %or3A : vector<16xi32>
        %broadcast_in_dim3A_36 = arith.constant 0 : i32
        %broadcast_in_dim3A_37 = vector.broadcast %broadcast_in_dim3A_36 : i32 to vector<16xi32>
        %scan3A_38 = arith.constant 0 : i32
        %scan3A_39 = arith.constant 37 : i32
        %scan3A_40 = arith.addi %scan3A_38, %scan3A_39 : i32
        %scan3A_41 = arith.constant 1 : i32
        %scan3A_42 = scf.for %scan3A_93 = %scan3A_38 to %scan3A_40 step %scan3A_41 iter_args(%scan3A_94 = %broadcast_in_dim3A_37) -> (vector<16xi32>)  : i32 {
          %mul3A_95 = arith.constant 16 : i32
          %mul3A_96 = arith.muli %scan3A_93, %mul3A_95 : i32
          %get3A_97 = arith.index_cast %mul3A_96 : i32 to index
          %get3A_98 = tpu.vector_load %arg4[%get3A_97] {strides = array<i32>} : memref<592xi32, #tpu.memory_space<vmem>>, vector<16xi32>,
          %get3A_99 = vector.shape_cast %get3A_98 : vector<16xi32> to vector<16xi32>
          %le3A = arith.cmpi sle, %get3A_99, %or3A_35 : vector<16xi32>
          %jit3A_100 = arith.constant 1 : i32
          %jit3A_101 = arith.constant 0 : i32
          %broadcast_in_dim3A_102 = vector.broadcast %jit3A_100 : i32 to vector<16xi32>
          %broadcast_in_dim3A_103 = vector.broadcast %jit3A_101 : i32 to vector<16xi32>
          %select_n3A_104 = arith.select %le3A, %broadcast_in_dim3A_102, %broadcast_in_dim3A_103 : vector<16xi1>, vector<16xi32>
          %add3A_105 = arith.addi %scan3A_94, %select_n3A_104 : vector<16xi32>
          scf.yield %add3A_105 : vector<16xi32>
        }
        %scan3A_43 = arith.constant 37 : i32
        %swap3A = arith.constant 0 : index
        %swap3A_44 = tpu.vector_load %arg6[%swap3A] {strides = array<i32>} : memref<32xi32, #tpu.memory_space<vmem>>, vector<16xi32>,
        %swap3A_45 = vector.shape_cast %swap3A_44 : vector<16xi32> to vector<16xi32>
        %swap3A_46 = vector.shape_cast %scan3A_42 : vector<16xi32> to vector<16xi32>
        tpu.vector_store %arg6[%swap3A], %swap3A_46 {strides = array<i32>} : memref<32xi32, #tpu.memory_space<vmem>>, vector<16xi32>,
        %swap3A_47 = arith.constant 16 : index
        %swap3A_48 = tpu.vector_load %arg6[%swap3A_47] {strides = array<i32>} : memref<32xi32, #tpu.memory_space<vmem>>, vector<16xi32>,
        %swap3A_49 = vector.shape_cast %swap3A_48 : vector<16xi32> to vector<16xi32>
        %swap3A_50 = vector.shape_cast %scan3A_42 : vector<16xi32> to vector<16xi32>
        tpu.vector_store %arg6[%swap3A_47], %swap3A_50 {strides = array<i32>} : memref<32xi32, #tpu.memory_space<vmem>>, vector<16xi32>,
        %get3A = arith.constant 8 : index
        %get3A_51 = tpu.vector_load %arg6[%get3A] {strides = array<i32>} : memref<32xi32, #tpu.memory_space<vmem>>, vector<16xi32>,
        %get3A_52 = vector.shape_cast %get3A_51 : vector<16xi32> to vector<16xi32>
        %add3A_53 = arith.addi %scan3A_42, %get3A_52 : vector<16xi32>
        %swap3A_54 = arith.constant 0 : index
        %swap3A_55 = tpu.vector_load %arg6[%swap3A_54] {strides = array<i32>} : memref<32xi32, #tpu.memory_space<vmem>>, vector<16xi32>,
        %swap3A_56 = vector.shape_cast %swap3A_55 : vector<16xi32> to vector<16xi32>
        %swap3A_57 = vector.shape_cast %add3A_53 : vector<16xi32> to vector<16xi32>
        tpu.vector_store %arg6[%swap3A_54], %swap3A_57 {strides = array<i32>} : memref<32xi32, #tpu.memory_space<vmem>>, vector<16xi32>,
        %swap3A_58 = arith.constant 16 : index
        %swap3A_59 = tpu.vector_load %arg6[%swap3A_58] {strides = array<i32>} : memref<32xi32, #tpu.memory_space<vmem>>, vector<16xi32>,
        %swap3A_60 = vector.shape_cast %swap3A_59 : vector<16xi32> to vector<16xi32>
        %swap3A_61 = vector.shape_cast %add3A_53 : vector<16xi32> to vector<16xi32>
        tpu.vector_store %arg6[%swap3A_58], %swap3A_61 {strides = array<i32>} : memref<32xi32, #tpu.memory_space<vmem>>, vector<16xi32>,
        %get3A_62 = arith.constant 4 : index
        %get3A_63 = tpu.vector_load %arg6[%get3A_62] {strides = array<i32>} : memref<32xi32, #tpu.memory_space<vmem>>, vector<16xi32>,
        %get3A_64 = vector.shape_cast %get3A_63 : vector<16xi32> to vector<16xi32>
        %add3A_65 = arith.addi %add3A_53, %get3A_64 : vector<16xi32>
        %swap3A_66 = arith.constant 0 : index
        %swap3A_67 = tpu.vector_load %arg6[%swap3A_66] {strides = array<i32>} : memref<32xi32, #tpu.memory_space<vmem>>, vector<16xi32>,
        %swap3A_68 = vector.shape_cast %swap3A_67 : vector<16xi32> to vector<16xi32>
        %swap3A_69 = vector.shape_cast %add3A_65 : vector<16xi32> to vector<16xi32>
        tpu.vector_store %arg6[%swap3A_66], %swap3A_69 {strides = array<i32>} : memref<32xi32, #tpu.memory_space<vmem>>, vector<16xi32>,
        %swap3A_70 = arith.constant 16 : index
        %swap3A_71 = tpu.vector_load %arg6[%swap3A_70] {strides = array<i32>} : memref<32xi32, #tpu.memory_space<vmem>>, vector<16xi32>,
        %swap3A_72 = vector.shape_cast %swap3A_71 : vector<16xi32> to vector<16xi32>
        %swap3A_73 = vector.shape_cast %add3A_65 : vector<16xi32> to vector<16xi32>
        tpu.vector_store %arg6[%swap3A_70], %swap3A_73 {strides = array<i32>} : memref<32xi32, #tpu.memory_space<vmem>>, vector<16xi32>,
        %get3A_74 = arith.constant 2 : index
        %get3A_75 = tpu.vector_load %arg6[%get3A_74] {strides = array<i32>} : memref<32xi32, #tpu.memory_space<vmem>>, vector<16xi32>,
        %get3A_76 = vector.shape_cast %get3A_75 : vector<16xi32> to vector<16xi32>
        %add3A_77 = arith.addi %add3A_65, %get3A_76 : vector<16xi32>
        %swap3A_78 = arith.constant 0 : index
        %swap3A_79 = tpu.vector_load %arg6[%swap3A_78] {strides = array<i32>} : memref<32xi32, #tpu.memory_space<vmem>>, vector<16xi32>,
        %swap3A_80 = vector.shape_cast %swap3A_79 : vector<16xi32> to vector<16xi32>
        %swap3A_81 = vector.shape_cast %add3A_77 : vector<16xi32> to vector<16xi32>
        tpu.vector_store %arg6[%swap3A_78], %swap3A_81 {strides = array<i32>} : memref<32xi32, #tpu.memory_space<vmem>>, vector<16xi32>,
        %swap3A_82 = arith.constant 16 : index
        %swap3A_83 = tpu.vector_load %arg6[%swap3A_82] {strides = array<i32>} : memref<32xi32, #tpu.memory_space<vmem>>, vector<16xi32>,
        %swap3A_84 = vector.shape_cast %swap3A_83 : vector<16xi32> to vector<16xi32>
        %swap3A_85 = vector.shape_cast %add3A_77 : vector<16xi32> to vector<16xi32>
        tpu.vector_store %arg6[%swap3A_82], %swap3A_85 {strides = array<i32>} : memref<32xi32, #tpu.memory_space<vmem>>, vector<16xi32>,
        %get3A_86 = arith.constant 1 : index
        %get3A_87 = tpu.vector_load %arg6[%get3A_86] {strides = array<i32>} : memref<32xi32, #tpu.memory_space<vmem>>, vector<16xi32>,
        %get3A_88 = vector.shape_cast %get3A_87 : vector<16xi32> to vector<16xi32>
        %add3A_89 = arith.addi %add3A_77, %get3A_88 : vector<16xi32>
        %ge3A = arith.constant 32 : i32
        %ge3A_90 = vector.broadcast %ge3A : i32 to vector<16xi32>
        %ge3A_91 = arith.cmpi sge, %add3A_89, %ge3A_90 : vector<16xi32>
        %select_n3A_92 = arith.select %ge3A_91, %scan3A_32, %or3A_35 : vector<16xi1>, vector<16xi32>
        scf.yield %select_n3A_92 : vector<16xi32>
      }
      %scan3A_19 = arith.constant 31 : i32
      %add3A_20 = arith.constant 1 : i32
      %add3A_21 = vector.broadcast %add3A_20 : i32 to vector<16xi32>
      %add3A_22 = arith.addi %scan3A_18, %add3A_21 : vector<16xi32>
      %scan3A_23 = arith.constant 0 : i32
      %scan3A_24 = arith.constant 0 : i32
      %scan3A_25 = arith.constant 37 : i32
      %scan3A_26 = arith.addi %scan3A_24, %scan3A_25 : i32
      %scan3A_27 = arith.constant 1 : i32
      %scan3A_28 = scf.for %scan3A_31 = %scan3A_24 to %scan3A_26 step %scan3A_27 iter_args(%scan3A_32 = %scan3A_23) -> (i32)  : i32 {
        %mul3A_33 = arith.constant 16 : i32
        %mul3A_34 = arith.muli %scan3A_31, %mul3A_33 : i32
        %get3A = arith.index_cast %mul3A_34 : i32 to index
        %get3A_35 = tpu.vector_load %arg4[%get3A] {strides = array<i32>} : memref<592xi32, #tpu.memory_space<vmem>>, vector<16xi32>,
        %get3A_36 = vector.shape_cast %get3A_35 : vector<16xi32> to vector<16xi32>
        %le3A = arith.cmpi sle, %get3A_36, %add3A_22 : vector<16xi32>
        %jit3A_37 = arith.constant 1.000000e+00 : f32
        %jit3A_38 = arith.constant 0.000000e+00 : f32
        %broadcast_in_dim3A_39 = vector.broadcast %jit3A_37 : f32 to vector<16xf32>
        %broadcast_in_dim3A_40 = vector.broadcast %jit3A_38 : f32 to vector<16xf32>
        %select_n3A_41 = arith.select %le3A, %broadcast_in_dim3A_39, %broadcast_in_dim3A_40 : vector<16xi1>, vector<16xf32>
        %mul3A_42 = arith.constant 16 : i32
        %mul3A_43 = arith.muli %scan3A_31, %mul3A_42 : i32
        %swap3A = arith.index_cast %mul3A_43 : i32 to index
        %swap3A_44 = tpu.vector_load %arg5[%swap3A] {strides = array<i32>} : memref<592xf32, #tpu.memory_space<vmem>>, vector<16xf32>,
        %swap3A_45 = vector.shape_cast %swap3A_44 : vector<16xf32> to vector<16xf32>
        %swap3A_46 = vector.shape_cast %select_n3A_41 : vector<16xf32> to vector<16xf32>
        tpu.vector_store %arg5[%swap3A], %swap3A_46 {strides = array<i32>} : memref<592xf32, #tpu.memory_space<vmem>>, vector<16xf32>,
        %scan3A_47 = arith.constant 0 : i32
        scf.yield %scan3A_47 : i32
      }
      %scan3A_29 = arith.constant 37 : i32
      "tpu.region"() ({
        %run_scoped3A = tpu.sem_alloc : memref<!tpu.dma_semaphore, #tpu.memory_space<semaphore_mem>>
        %dma_start3A = arith.constant 0 : i32
        %dma_start3A_31 = tpu.memref_slice %arg3[%select_n3A, %dma_start3A] : memref<96x592xf32, #tpu.memory_space<hbm>> -> memref<1x592xf32, #tpu.memory_space<hbm>>
        %dma_start3A_32 = tpu.memref_squeeze %dma_start3A_31 : memref<1x592xf32, #tpu.memory_space<hbm>> -> memref<592xf32, #tpu.memory_space<hbm>>
        %dma_start3A_33 = arith.constant 0 : i32
        %dma_start3A_34 = tpu.memref_slice %arg3[%select_n3A, %dma_start3A_33] : memref<96x592xf32, #tpu.memory_space<hbm>> -> memref<1x592xf32, #tpu.memory_space<hbm>>
        %dma_start3A_35 = tpu.memref_squeeze %dma_start3A_34 : memref<1x592xf32, #tpu.memory_space<hbm>> -> memref<592xf32, #tpu.memory_space<hbm>>
        tpu.enqueue_dma source(%arg5 : memref<592xf32, #tpu.memory_space<vmem>>) target(%dma_start3A_35 : memref<592xf32, #tpu.memory_space<hbm>>) target_semaphore(%run_scoped3A : memref<!tpu.dma_semaphore, #tpu.memory_space<semaphore_mem>>)
        %dma_wait3A = arith.constant 0 : i32
        %dma_wait3A_36 = tpu.memref_slice %arg3[%select_n3A, %dma_wait3A] : memref<96x592xf32, #tpu.memory_space<hbm>> -> memref<1x592xf32, #tpu.memory_space<hbm>>
        %dma_wait3A_37 = tpu.memref_squeeze %dma_wait3A_36 : memref<1x592xf32, #tpu.memory_space<hbm>> -> memref<592xf32, #tpu.memory_space<hbm>>
        %dma_wait3A_38 = arith.constant 0 : i32
        %dma_wait3A_39 = tpu.memref_slice %arg3[%select_n3A, %dma_wait3A_38] : memref<96x592xf32, #tpu.memory_space<hbm>> -> memref<1x592xf32, #tpu.memory_space<hbm>>
        %dma_wait3A_40 = tpu.memref_squeeze %dma_wait3A_39 : memref<1x592xf32, #tpu.memory_space<hbm>> -> memref<592xf32, #tpu.memory_space<hbm>>
        tpu.wait_dma2 semaphore(%run_scoped3A : memref<!tpu.dma_semaphore, #tpu.memory_space<semaphore_mem>>) src(%arg5 : memref<592xf32, #tpu.memory_space<vmem>>) dst(%dma_wait3A_40 : memref<592xf32, #tpu.memory_space<hbm>>)
        tpu.yield
      }) : () -> ()
      %scan3A_30 = arith.constant 0 : i32
      scf.yield %scan3A_30 : i32
    }
    %scan3A_6 = arith.constant 3 : i32
    return
  }
}

module attributes {stable_mosaic.version = 14 : i64} {
  func.func @_proj_body(%arg0: i32, %arg1: memref<1x577x768xf32, #tpu.memory_space<vmem>>, %arg2: memref<768x768xf32, #tpu.memory_space<vmem>>, %arg3: memref<768x768xf32, #tpu.memory_space<vmem>>, %arg4: memref<768x768xf32, #tpu.memory_space<vmem>>, %arg5: memref<768x1xf32, #tpu.memory_space<vmem>>, %arg6: memref<768x1xf32, #tpu.memory_space<vmem>>, %arg7: memref<768x1xf32, #tpu.memory_space<vmem>>, %arg8: memref<1x12x64x577xf32, #tpu.memory_space<vmem>>, %arg9: memref<1x12x64x577xf32, #tpu.memory_space<vmem>>, %arg10: memref<1x12x64x577xf32, #tpu.memory_space<vmem>>, %arg11: memref<1x12x1x592xi32, #tpu.memory_space<vmem>>) attributes {dimension_semantics = [#tpu.dimension_semantics<arbitrary>], iteration_bounds = array<i64: 8>, scalar_prefetch = 0 : i64, scratch_operands = 0 : i64, tpu.core_type = #tpu.core_type<tc>, window_params = [{transform_indices = @transform_0, window_bounds = array<i64: 1, 577, 768>}, {pipeline_mode = #tpu.pipeline_mode<synchronous>, transform_indices = @transform_1, window_bounds = array<i64: 768, 768>}, {pipeline_mode = #tpu.pipeline_mode<synchronous>, transform_indices = @transform_2, window_bounds = array<i64: 768, 768>}, {pipeline_mode = #tpu.pipeline_mode<synchronous>, transform_indices = @transform_3, window_bounds = array<i64: 768, 768>}, {pipeline_mode = #tpu.pipeline_mode<synchronous>, transform_indices = @transform_4, window_bounds = array<i64: 768, 1>}, {pipeline_mode = #tpu.pipeline_mode<synchronous>, transform_indices = @transform_5, window_bounds = array<i64: 768, 1>}, {pipeline_mode = #tpu.pipeline_mode<synchronous>, transform_indices = @transform_6, window_bounds = array<i64: 768, 1>}, {transform_indices = @transform_7, window_bounds = array<i64: 1, 12, 64, 577>}, {transform_indices = @transform_8, window_bounds = array<i64: 1, 12, 64, 577>}, {transform_indices = @transform_9, window_bounds = array<i64: 1, 12, 64, 577>}, {transform_indices = @transform_10, window_bounds = array<i64: 1, 12, 1, 592>}]} {
    %get3A = arith.constant 0 : index
    %get3A_0 = arith.constant 0 : index
    %get3A_1 = arith.constant 0 : index
    %get3A_2 = vector.load %arg1[%get3A, %get3A_0, %get3A_1] : memref<1x577x768xf32, #tpu.memory_space<vmem>>, vector<1x577x768xf32>
    %get3A_3 = vector.shape_cast %get3A_2 : vector<1x577x768xf32> to vector<577x768xf32>
    %get3A_4 = arith.constant 0 : index
    %get3A_5 = arith.constant 0 : index
    %get3A_6 = vector.load %arg2[%get3A_4, %get3A_5] : memref<768x768xf32, #tpu.memory_space<vmem>>, vector<768x768xf32>
    %dot_general3A = arith.constant dense<0.000000e+00> : vector<768x577xf32>
    %dot_general3A_7 = tpu.matmul %get3A_6, %get3A_3, %dot_general3A {dimension_numbers = #tpu.dot_dimension_numbers<[1], [1], [0], [0], [0, 0, 1, 0], [], []>, transpose_lhs_hint = false} : vector<768x768xf32>, vector<577x768xf32>, vector<768x577xf32> -> vector<768x577xf32>
    %get3A_8 = arith.constant 0 : index
    %get3A_9 = arith.constant 0 : index
    %get3A_10 = vector.load %arg5[%get3A_8, %get3A_9] : memref<768x1xf32, #tpu.memory_space<vmem>>, vector<768x1xf32>
    %add3A = vector.broadcast %get3A_10 : vector<768x1xf32> to vector<768x577xf32>
    %add3A_11 = arith.addf %dot_general3A_7, %add3A : vector<768x577xf32>
    %slice3A = vector.extract_strided_slice %add3A_11 {offsets = [0, 0], sizes = [64, 577], strides = [1, 1]} : vector<768x577xf32> to vector<64x577xf32>
    %swap3A = arith.constant 0 : index
    %swap3A_12 = arith.constant 0 : index
    %swap3A_13 = arith.constant 0 : index
    %swap3A_14 = arith.constant 0 : index
    %swap3A_15 = vector.load %arg8[%swap3A, %swap3A_12, %swap3A_13, %swap3A_14] : memref<1x12x64x577xf32, #tpu.memory_space<vmem>>, vector<1x1x64x577xf32>
    %swap3A_16 = vector.shape_cast %swap3A_15 : vector<1x1x64x577xf32> to vector<64x577xf32>
    %swap3A_17 = vector.shape_cast %slice3A : vector<64x577xf32> to vector<1x1x64x577xf32>
    tpu.vector_store %arg8[%swap3A, %swap3A_12, %swap3A_13, %swap3A_14], %swap3A_17 {strides = array<i32>} : memref<1x12x64x577xf32, #tpu.memory_space<vmem>>, vector<1x1x64x577xf32>,
    %slice3A_18 = vector.extract_strided_slice %add3A_11 {offsets = [64, 0], sizes = [64, 577], strides = [1, 1]} : vector<768x577xf32> to vector<64x577xf32>
    %swap3A_19 = arith.constant 0 : index
    %swap3A_20 = arith.constant 1 : index
    %swap3A_21 = arith.constant 0 : index
    %swap3A_22 = arith.constant 0 : index
    %swap3A_23 = vector.load %arg8[%swap3A_19, %swap3A_20, %swap3A_21, %swap3A_22] : memref<1x12x64x577xf32, #tpu.memory_space<vmem>>, vector<1x1x64x577xf32>
    %swap3A_24 = vector.shape_cast %swap3A_23 : vector<1x1x64x577xf32> to vector<64x577xf32>
    %swap3A_25 = vector.shape_cast %slice3A_18 : vector<64x577xf32> to vector<1x1x64x577xf32>
    tpu.vector_store %arg8[%swap3A_19, %swap3A_20, %swap3A_21, %swap3A_22], %swap3A_25 {strides = array<i32>} : memref<1x12x64x577xf32, #tpu.memory_space<vmem>>, vector<1x1x64x577xf32>,
    %slice3A_26 = vector.extract_strided_slice %add3A_11 {offsets = [128, 0], sizes = [64, 577], strides = [1, 1]} : vector<768x577xf32> to vector<64x577xf32>
    %swap3A_27 = arith.constant 0 : index
    %swap3A_28 = arith.constant 2 : index
    %swap3A_29 = arith.constant 0 : index
    %swap3A_30 = arith.constant 0 : index
    %swap3A_31 = vector.load %arg8[%swap3A_27, %swap3A_28, %swap3A_29, %swap3A_30] : memref<1x12x64x577xf32, #tpu.memory_space<vmem>>, vector<1x1x64x577xf32>
    %swap3A_32 = vector.shape_cast %swap3A_31 : vector<1x1x64x577xf32> to vector<64x577xf32>
    %swap3A_33 = vector.shape_cast %slice3A_26 : vector<64x577xf32> to vector<1x1x64x577xf32>
    tpu.vector_store %arg8[%swap3A_27, %swap3A_28, %swap3A_29, %swap3A_30], %swap3A_33 {strides = array<i32>} : memref<1x12x64x577xf32, #tpu.memory_space<vmem>>, vector<1x1x64x577xf32>,
    %slice3A_34 = vector.extract_strided_slice %add3A_11 {offsets = [192, 0], sizes = [64, 577], strides = [1, 1]} : vector<768x577xf32> to vector<64x577xf32>
    %swap3A_35 = arith.constant 0 : index
    %swap3A_36 = arith.constant 3 : index
    %swap3A_37 = arith.constant 0 : index
    %swap3A_38 = arith.constant 0 : index
    %swap3A_39 = vector.load %arg8[%swap3A_35, %swap3A_36, %swap3A_37, %swap3A_38] : memref<1x12x64x577xf32, #tpu.memory_space<vmem>>, vector<1x1x64x577xf32>
    %swap3A_40 = vector.shape_cast %swap3A_39 : vector<1x1x64x577xf32> to vector<64x577xf32>
    %swap3A_41 = vector.shape_cast %slice3A_34 : vector<64x577xf32> to vector<1x1x64x577xf32>
    tpu.vector_store %arg8[%swap3A_35, %swap3A_36, %swap3A_37, %swap3A_38], %swap3A_41 {strides = array<i32>} : memref<1x12x64x577xf32, #tpu.memory_space<vmem>>, vector<1x1x64x577xf32>,
    %slice3A_42 = vector.extract_strided_slice %add3A_11 {offsets = [256, 0], sizes = [64, 577], strides = [1, 1]} : vector<768x577xf32> to vector<64x577xf32>
    %swap3A_43 = arith.constant 0 : index
    %swap3A_44 = arith.constant 4 : index
    %swap3A_45 = arith.constant 0 : index
    %swap3A_46 = arith.constant 0 : index
    %swap3A_47 = vector.load %arg8[%swap3A_43, %swap3A_44, %swap3A_45, %swap3A_46] : memref<1x12x64x577xf32, #tpu.memory_space<vmem>>, vector<1x1x64x577xf32>
    %swap3A_48 = vector.shape_cast %swap3A_47 : vector<1x1x64x577xf32> to vector<64x577xf32>
    %swap3A_49 = vector.shape_cast %slice3A_42 : vector<64x577xf32> to vector<1x1x64x577xf32>
    tpu.vector_store %arg8[%swap3A_43, %swap3A_44, %swap3A_45, %swap3A_46], %swap3A_49 {strides = array<i32>} : memref<1x12x64x577xf32, #tpu.memory_space<vmem>>, vector<1x1x64x577xf32>,
    %slice3A_50 = vector.extract_strided_slice %add3A_11 {offsets = [320, 0], sizes = [64, 577], strides = [1, 1]} : vector<768x577xf32> to vector<64x577xf32>
    %swap3A_51 = arith.constant 0 : index
    %swap3A_52 = arith.constant 5 : index
    %swap3A_53 = arith.constant 0 : index
    %swap3A_54 = arith.constant 0 : index
    %swap3A_55 = vector.load %arg8[%swap3A_51, %swap3A_52, %swap3A_53, %swap3A_54] : memref<1x12x64x577xf32, #tpu.memory_space<vmem>>, vector<1x1x64x577xf32>
    %swap3A_56 = vector.shape_cast %swap3A_55 : vector<1x1x64x577xf32> to vector<64x577xf32>
    %swap3A_57 = vector.shape_cast %slice3A_50 : vector<64x577xf32> to vector<1x1x64x577xf32>
    tpu.vector_store %arg8[%swap3A_51, %swap3A_52, %swap3A_53, %swap3A_54], %swap3A_57 {strides = array<i32>} : memref<1x12x64x577xf32, #tpu.memory_space<vmem>>, vector<1x1x64x577xf32>,
    %slice3A_58 = vector.extract_strided_slice %add3A_11 {offsets = [384, 0], sizes = [64, 577], strides = [1, 1]} : vector<768x577xf32> to vector<64x577xf32>
    %swap3A_59 = arith.constant 0 : index
    %swap3A_60 = arith.constant 6 : index
    %swap3A_61 = arith.constant 0 : index
    %swap3A_62 = arith.constant 0 : index
    %swap3A_63 = vector.load %arg8[%swap3A_59, %swap3A_60, %swap3A_61, %swap3A_62] : memref<1x12x64x577xf32, #tpu.memory_space<vmem>>, vector<1x1x64x577xf32>
    %swap3A_64 = vector.shape_cast %swap3A_63 : vector<1x1x64x577xf32> to vector<64x577xf32>
    %swap3A_65 = vector.shape_cast %slice3A_58 : vector<64x577xf32> to vector<1x1x64x577xf32>
    tpu.vector_store %arg8[%swap3A_59, %swap3A_60, %swap3A_61, %swap3A_62], %swap3A_65 {strides = array<i32>} : memref<1x12x64x577xf32, #tpu.memory_space<vmem>>, vector<1x1x64x577xf32>,
    %slice3A_66 = vector.extract_strided_slice %add3A_11 {offsets = [448, 0], sizes = [64, 577], strides = [1, 1]} : vector<768x577xf32> to vector<64x577xf32>
    %swap3A_67 = arith.constant 0 : index
    %swap3A_68 = arith.constant 7 : index
    %swap3A_69 = arith.constant 0 : index
    %swap3A_70 = arith.constant 0 : index
    %swap3A_71 = vector.load %arg8[%swap3A_67, %swap3A_68, %swap3A_69, %swap3A_70] : memref<1x12x64x577xf32, #tpu.memory_space<vmem>>, vector<1x1x64x577xf32>
    %swap3A_72 = vector.shape_cast %swap3A_71 : vector<1x1x64x577xf32> to vector<64x577xf32>
    %swap3A_73 = vector.shape_cast %slice3A_66 : vector<64x577xf32> to vector<1x1x64x577xf32>
    tpu.vector_store %arg8[%swap3A_67, %swap3A_68, %swap3A_69, %swap3A_70], %swap3A_73 {strides = array<i32>} : memref<1x12x64x577xf32, #tpu.memory_space<vmem>>, vector<1x1x64x577xf32>,
    %slice3A_74 = vector.extract_strided_slice %add3A_11 {offsets = [512, 0], sizes = [64, 577], strides = [1, 1]} : vector<768x577xf32> to vector<64x577xf32>
    %swap3A_75 = arith.constant 0 : index
    %swap3A_76 = arith.constant 8 : index
    %swap3A_77 = arith.constant 0 : index
    %swap3A_78 = arith.constant 0 : index
    %swap3A_79 = vector.load %arg8[%swap3A_75, %swap3A_76, %swap3A_77, %swap3A_78] : memref<1x12x64x577xf32, #tpu.memory_space<vmem>>, vector<1x1x64x577xf32>
    %swap3A_80 = vector.shape_cast %swap3A_79 : vector<1x1x64x577xf32> to vector<64x577xf32>
    %swap3A_81 = vector.shape_cast %slice3A_74 : vector<64x577xf32> to vector<1x1x64x577xf32>
    tpu.vector_store %arg8[%swap3A_75, %swap3A_76, %swap3A_77, %swap3A_78], %swap3A_81 {strides = array<i32>} : memref<1x12x64x577xf32, #tpu.memory_space<vmem>>, vector<1x1x64x577xf32>,
    %slice3A_82 = vector.extract_strided_slice %add3A_11 {offsets = [576, 0], sizes = [64, 577], strides = [1, 1]} : vector<768x577xf32> to vector<64x577xf32>
    %swap3A_83 = arith.constant 0 : index
    %swap3A_84 = arith.constant 9 : index
    %swap3A_85 = arith.constant 0 : index
    %swap3A_86 = arith.constant 0 : index
    %swap3A_87 = vector.load %arg8[%swap3A_83, %swap3A_84, %swap3A_85, %swap3A_86] : memref<1x12x64x577xf32, #tpu.memory_space<vmem>>, vector<1x1x64x577xf32>
    %swap3A_88 = vector.shape_cast %swap3A_87 : vector<1x1x64x577xf32> to vector<64x577xf32>
    %swap3A_89 = vector.shape_cast %slice3A_82 : vector<64x577xf32> to vector<1x1x64x577xf32>
    tpu.vector_store %arg8[%swap3A_83, %swap3A_84, %swap3A_85, %swap3A_86], %swap3A_89 {strides = array<i32>} : memref<1x12x64x577xf32, #tpu.memory_space<vmem>>, vector<1x1x64x577xf32>,
    %slice3A_90 = vector.extract_strided_slice %add3A_11 {offsets = [640, 0], sizes = [64, 577], strides = [1, 1]} : vector<768x577xf32> to vector<64x577xf32>
    %swap3A_91 = arith.constant 0 : index
    %swap3A_92 = arith.constant 10 : index
    %swap3A_93 = arith.constant 0 : index
    %swap3A_94 = arith.constant 0 : index
    %swap3A_95 = vector.load %arg8[%swap3A_91, %swap3A_92, %swap3A_93, %swap3A_94] : memref<1x12x64x577xf32, #tpu.memory_space<vmem>>, vector<1x1x64x577xf32>
    %swap3A_96 = vector.shape_cast %swap3A_95 : vector<1x1x64x577xf32> to vector<64x577xf32>
    %swap3A_97 = vector.shape_cast %slice3A_90 : vector<64x577xf32> to vector<1x1x64x577xf32>
    tpu.vector_store %arg8[%swap3A_91, %swap3A_92, %swap3A_93, %swap3A_94], %swap3A_97 {strides = array<i32>} : memref<1x12x64x577xf32, #tpu.memory_space<vmem>>, vector<1x1x64x577xf32>,
    %slice3A_98 = vector.extract_strided_slice %add3A_11 {offsets = [704, 0], sizes = [64, 577], strides = [1, 1]} : vector<768x577xf32> to vector<64x577xf32>
    %swap3A_99 = arith.constant 0 : index
    %swap3A_100 = arith.constant 11 : index
    %swap3A_101 = arith.constant 0 : index
    %swap3A_102 = arith.constant 0 : index
    %swap3A_103 = vector.load %arg8[%swap3A_99, %swap3A_100, %swap3A_101, %swap3A_102] : memref<1x12x64x577xf32, #tpu.memory_space<vmem>>, vector<1x1x64x577xf32>
    %swap3A_104 = vector.shape_cast %swap3A_103 : vector<1x1x64x577xf32> to vector<64x577xf32>
    %swap3A_105 = vector.shape_cast %slice3A_98 : vector<64x577xf32> to vector<1x1x64x577xf32>
    tpu.vector_store %arg8[%swap3A_99, %swap3A_100, %swap3A_101, %swap3A_102], %swap3A_105 {strides = array<i32>} : memref<1x12x64x577xf32, #tpu.memory_space<vmem>>, vector<1x1x64x577xf32>,
    %get3A_106 = arith.constant 0 : index
    %get3A_107 = arith.constant 0 : index
    %get3A_108 = vector.load %arg3[%get3A_106, %get3A_107] : memref<768x768xf32, #tpu.memory_space<vmem>>, vector<768x768xf32>
    %dot_general3A_109 = arith.constant dense<0.000000e+00> : vector<768x577xf32>
    %dot_general3A_110 = tpu.matmul %get3A_108, %get3A_3, %dot_general3A_109 {dimension_numbers = #tpu.dot_dimension_numbers<[1], [1], [0], [0], [0, 0, 1, 0], [], []>, transpose_lhs_hint = false} : vector<768x768xf32>, vector<577x768xf32>, vector<768x577xf32> -> vector<768x577xf32>
    %get3A_111 = arith.constant 0 : index
    %get3A_112 = arith.constant 0 : index
    %get3A_113 = vector.load %arg6[%get3A_111, %get3A_112] : memref<768x1xf32, #tpu.memory_space<vmem>>, vector<768x1xf32>
    %add3A_114 = vector.broadcast %get3A_113 : vector<768x1xf32> to vector<768x577xf32>
    %add3A_115 = arith.addf %dot_general3A_110, %add3A_114 : vector<768x577xf32>
    %slice3A_116 = vector.extract_strided_slice %add3A_115 {offsets = [0, 0], sizes = [64, 577], strides = [1, 1]} : vector<768x577xf32> to vector<64x577xf32>
    %swap3A_117 = arith.constant 0 : index
    %swap3A_118 = arith.constant 0 : index
    %swap3A_119 = arith.constant 0 : index
    %swap3A_120 = arith.constant 0 : index
    %swap3A_121 = vector.load %arg9[%swap3A_117, %swap3A_118, %swap3A_119, %swap3A_120] : memref<1x12x64x577xf32, #tpu.memory_space<vmem>>, vector<1x1x64x577xf32>
    %swap3A_122 = vector.shape_cast %swap3A_121 : vector<1x1x64x577xf32> to vector<64x577xf32>
    %swap3A_123 = vector.shape_cast %slice3A_116 : vector<64x577xf32> to vector<1x1x64x577xf32>
    tpu.vector_store %arg9[%swap3A_117, %swap3A_118, %swap3A_119, %swap3A_120], %swap3A_123 {strides = array<i32>} : memref<1x12x64x577xf32, #tpu.memory_space<vmem>>, vector<1x1x64x577xf32>,
    %slice3A_124 = vector.extract_strided_slice %add3A_115 {offsets = [64, 0], sizes = [64, 577], strides = [1, 1]} : vector<768x577xf32> to vector<64x577xf32>
    %swap3A_125 = arith.constant 0 : index
    %swap3A_126 = arith.constant 1 : index
    %swap3A_127 = arith.constant 0 : index
    %swap3A_128 = arith.constant 0 : index
    %swap3A_129 = vector.load %arg9[%swap3A_125, %swap3A_126, %swap3A_127, %swap3A_128] : memref<1x12x64x577xf32, #tpu.memory_space<vmem>>, vector<1x1x64x577xf32>
    %swap3A_130 = vector.shape_cast %swap3A_129 : vector<1x1x64x577xf32> to vector<64x577xf32>
    %swap3A_131 = vector.shape_cast %slice3A_124 : vector<64x577xf32> to vector<1x1x64x577xf32>
    tpu.vector_store %arg9[%swap3A_125, %swap3A_126, %swap3A_127, %swap3A_128], %swap3A_131 {strides = array<i32>} : memref<1x12x64x577xf32, #tpu.memory_space<vmem>>, vector<1x1x64x577xf32>,
    %slice3A_132 = vector.extract_strided_slice %add3A_115 {offsets = [128, 0], sizes = [64, 577], strides = [1, 1]} : vector<768x577xf32> to vector<64x577xf32>
    %swap3A_133 = arith.constant 0 : index
    %swap3A_134 = arith.constant 2 : index
    %swap3A_135 = arith.constant 0 : index
    %swap3A_136 = arith.constant 0 : index
    %swap3A_137 = vector.load %arg9[%swap3A_133, %swap3A_134, %swap3A_135, %swap3A_136] : memref<1x12x64x577xf32, #tpu.memory_space<vmem>>, vector<1x1x64x577xf32>
    %swap3A_138 = vector.shape_cast %swap3A_137 : vector<1x1x64x577xf32> to vector<64x577xf32>
    %swap3A_139 = vector.shape_cast %slice3A_132 : vector<64x577xf32> to vector<1x1x64x577xf32>
    tpu.vector_store %arg9[%swap3A_133, %swap3A_134, %swap3A_135, %swap3A_136], %swap3A_139 {strides = array<i32>} : memref<1x12x64x577xf32, #tpu.memory_space<vmem>>, vector<1x1x64x577xf32>,
    %slice3A_140 = vector.extract_strided_slice %add3A_115 {offsets = [192, 0], sizes = [64, 577], strides = [1, 1]} : vector<768x577xf32> to vector<64x577xf32>
    %swap3A_141 = arith.constant 0 : index
    %swap3A_142 = arith.constant 3 : index
    %swap3A_143 = arith.constant 0 : index
    %swap3A_144 = arith.constant 0 : index
    %swap3A_145 = vector.load %arg9[%swap3A_141, %swap3A_142, %swap3A_143, %swap3A_144] : memref<1x12x64x577xf32, #tpu.memory_space<vmem>>, vector<1x1x64x577xf32>
    %swap3A_146 = vector.shape_cast %swap3A_145 : vector<1x1x64x577xf32> to vector<64x577xf32>
    %swap3A_147 = vector.shape_cast %slice3A_140 : vector<64x577xf32> to vector<1x1x64x577xf32>
    tpu.vector_store %arg9[%swap3A_141, %swap3A_142, %swap3A_143, %swap3A_144], %swap3A_147 {strides = array<i32>} : memref<1x12x64x577xf32, #tpu.memory_space<vmem>>, vector<1x1x64x577xf32>,
    %slice3A_148 = vector.extract_strided_slice %add3A_115 {offsets = [256, 0], sizes = [64, 577], strides = [1, 1]} : vector<768x577xf32> to vector<64x577xf32>
    %swap3A_149 = arith.constant 0 : index
    %swap3A_150 = arith.constant 4 : index
    %swap3A_151 = arith.constant 0 : index
    %swap3A_152 = arith.constant 0 : index
    %swap3A_153 = vector.load %arg9[%swap3A_149, %swap3A_150, %swap3A_151, %swap3A_152] : memref<1x12x64x577xf32, #tpu.memory_space<vmem>>, vector<1x1x64x577xf32>
    %swap3A_154 = vector.shape_cast %swap3A_153 : vector<1x1x64x577xf32> to vector<64x577xf32>
    %swap3A_155 = vector.shape_cast %slice3A_148 : vector<64x577xf32> to vector<1x1x64x577xf32>
    tpu.vector_store %arg9[%swap3A_149, %swap3A_150, %swap3A_151, %swap3A_152], %swap3A_155 {strides = array<i32>} : memref<1x12x64x577xf32, #tpu.memory_space<vmem>>, vector<1x1x64x577xf32>,
    %slice3A_156 = vector.extract_strided_slice %add3A_115 {offsets = [320, 0], sizes = [64, 577], strides = [1, 1]} : vector<768x577xf32> to vector<64x577xf32>
    %swap3A_157 = arith.constant 0 : index
    %swap3A_158 = arith.constant 5 : index
    %swap3A_159 = arith.constant 0 : index
    %swap3A_160 = arith.constant 0 : index
    %swap3A_161 = vector.load %arg9[%swap3A_157, %swap3A_158, %swap3A_159, %swap3A_160] : memref<1x12x64x577xf32, #tpu.memory_space<vmem>>, vector<1x1x64x577xf32>
    %swap3A_162 = vector.shape_cast %swap3A_161 : vector<1x1x64x577xf32> to vector<64x577xf32>
    %swap3A_163 = vector.shape_cast %slice3A_156 : vector<64x577xf32> to vector<1x1x64x577xf32>
    tpu.vector_store %arg9[%swap3A_157, %swap3A_158, %swap3A_159, %swap3A_160], %swap3A_163 {strides = array<i32>} : memref<1x12x64x577xf32, #tpu.memory_space<vmem>>, vector<1x1x64x577xf32>,
    %slice3A_164 = vector.extract_strided_slice %add3A_115 {offsets = [384, 0], sizes = [64, 577], strides = [1, 1]} : vector<768x577xf32> to vector<64x577xf32>
    %swap3A_165 = arith.constant 0 : index
    %swap3A_166 = arith.constant 6 : index
    %swap3A_167 = arith.constant 0 : index
    %swap3A_168 = arith.constant 0 : index
    %swap3A_169 = vector.load %arg9[%swap3A_165, %swap3A_166, %swap3A_167, %swap3A_168] : memref<1x12x64x577xf32, #tpu.memory_space<vmem>>, vector<1x1x64x577xf32>
    %swap3A_170 = vector.shape_cast %swap3A_169 : vector<1x1x64x577xf32> to vector<64x577xf32>
    %swap3A_171 = vector.shape_cast %slice3A_164 : vector<64x577xf32> to vector<1x1x64x577xf32>
    tpu.vector_store %arg9[%swap3A_165, %swap3A_166, %swap3A_167, %swap3A_168], %swap3A_171 {strides = array<i32>} : memref<1x12x64x577xf32, #tpu.memory_space<vmem>>, vector<1x1x64x577xf32>,
    %slice3A_172 = vector.extract_strided_slice %add3A_115 {offsets = [448, 0], sizes = [64, 577], strides = [1, 1]} : vector<768x577xf32> to vector<64x577xf32>
    %swap3A_173 = arith.constant 0 : index
    %swap3A_174 = arith.constant 7 : index
    %swap3A_175 = arith.constant 0 : index
    %swap3A_176 = arith.constant 0 : index
    %swap3A_177 = vector.load %arg9[%swap3A_173, %swap3A_174, %swap3A_175, %swap3A_176] : memref<1x12x64x577xf32, #tpu.memory_space<vmem>>, vector<1x1x64x577xf32>
    %swap3A_178 = vector.shape_cast %swap3A_177 : vector<1x1x64x577xf32> to vector<64x577xf32>
    %swap3A_179 = vector.shape_cast %slice3A_172 : vector<64x577xf32> to vector<1x1x64x577xf32>
    tpu.vector_store %arg9[%swap3A_173, %swap3A_174, %swap3A_175, %swap3A_176], %swap3A_179 {strides = array<i32>} : memref<1x12x64x577xf32, #tpu.memory_space<vmem>>, vector<1x1x64x577xf32>,
    %slice3A_180 = vector.extract_strided_slice %add3A_115 {offsets = [512, 0], sizes = [64, 577], strides = [1, 1]} : vector<768x577xf32> to vector<64x577xf32>
    %swap3A_181 = arith.constant 0 : index
    %swap3A_182 = arith.constant 8 : index
    %swap3A_183 = arith.constant 0 : index
    %swap3A_184 = arith.constant 0 : index
    %swap3A_185 = vector.load %arg9[%swap3A_181, %swap3A_182, %swap3A_183, %swap3A_184] : memref<1x12x64x577xf32, #tpu.memory_space<vmem>>, vector<1x1x64x577xf32>
    %swap3A_186 = vector.shape_cast %swap3A_185 : vector<1x1x64x577xf32> to vector<64x577xf32>
    %swap3A_187 = vector.shape_cast %slice3A_180 : vector<64x577xf32> to vector<1x1x64x577xf32>
    tpu.vector_store %arg9[%swap3A_181, %swap3A_182, %swap3A_183, %swap3A_184], %swap3A_187 {strides = array<i32>} : memref<1x12x64x577xf32, #tpu.memory_space<vmem>>, vector<1x1x64x577xf32>,
    %slice3A_188 = vector.extract_strided_slice %add3A_115 {offsets = [576, 0], sizes = [64, 577], strides = [1, 1]} : vector<768x577xf32> to vector<64x577xf32>
    %swap3A_189 = arith.constant 0 : index
    %swap3A_190 = arith.constant 9 : index
    %swap3A_191 = arith.constant 0 : index
    %swap3A_192 = arith.constant 0 : index
    %swap3A_193 = vector.load %arg9[%swap3A_189, %swap3A_190, %swap3A_191, %swap3A_192] : memref<1x12x64x577xf32, #tpu.memory_space<vmem>>, vector<1x1x64x577xf32>
    %swap3A_194 = vector.shape_cast %swap3A_193 : vector<1x1x64x577xf32> to vector<64x577xf32>
    %swap3A_195 = vector.shape_cast %slice3A_188 : vector<64x577xf32> to vector<1x1x64x577xf32>
    tpu.vector_store %arg9[%swap3A_189, %swap3A_190, %swap3A_191, %swap3A_192], %swap3A_195 {strides = array<i32>} : memref<1x12x64x577xf32, #tpu.memory_space<vmem>>, vector<1x1x64x577xf32>,
    %slice3A_196 = vector.extract_strided_slice %add3A_115 {offsets = [640, 0], sizes = [64, 577], strides = [1, 1]} : vector<768x577xf32> to vector<64x577xf32>
    %swap3A_197 = arith.constant 0 : index
    %swap3A_198 = arith.constant 10 : index
    %swap3A_199 = arith.constant 0 : index
    %swap3A_200 = arith.constant 0 : index
    %swap3A_201 = vector.load %arg9[%swap3A_197, %swap3A_198, %swap3A_199, %swap3A_200] : memref<1x12x64x577xf32, #tpu.memory_space<vmem>>, vector<1x1x64x577xf32>
    %swap3A_202 = vector.shape_cast %swap3A_201 : vector<1x1x64x577xf32> to vector<64x577xf32>
    %swap3A_203 = vector.shape_cast %slice3A_196 : vector<64x577xf32> to vector<1x1x64x577xf32>
    tpu.vector_store %arg9[%swap3A_197, %swap3A_198, %swap3A_199, %swap3A_200], %swap3A_203 {strides = array<i32>} : memref<1x12x64x577xf32, #tpu.memory_space<vmem>>, vector<1x1x64x577xf32>,
    %slice3A_204 = vector.extract_strided_slice %add3A_115 {offsets = [704, 0], sizes = [64, 577], strides = [1, 1]} : vector<768x577xf32> to vector<64x577xf32>
    %swap3A_205 = arith.constant 0 : index
    %swap3A_206 = arith.constant 11 : index
    %swap3A_207 = arith.constant 0 : index
    %swap3A_208 = arith.constant 0 : index
    %swap3A_209 = vector.load %arg9[%swap3A_205, %swap3A_206, %swap3A_207, %swap3A_208] : memref<1x12x64x577xf32, #tpu.memory_space<vmem>>, vector<1x1x64x577xf32>
    %swap3A_210 = vector.shape_cast %swap3A_209 : vector<1x1x64x577xf32> to vector<64x577xf32>
    %swap3A_211 = vector.shape_cast %slice3A_204 : vector<64x577xf32> to vector<1x1x64x577xf32>
    tpu.vector_store %arg9[%swap3A_205, %swap3A_206, %swap3A_207, %swap3A_208], %swap3A_211 {strides = array<i32>} : memref<1x12x64x577xf32, #tpu.memory_space<vmem>>, vector<1x1x64x577xf32>,
    %get3A_212 = arith.constant 0 : index
    %get3A_213 = arith.constant 0 : index
    %get3A_214 = vector.load %arg4[%get3A_212, %get3A_213] : memref<768x768xf32, #tpu.memory_space<vmem>>, vector<768x768xf32>
    %dot_general3A_215 = arith.constant dense<0.000000e+00> : vector<768x577xf32>
    %dot_general3A_216 = tpu.matmul %get3A_214, %get3A_3, %dot_general3A_215 {dimension_numbers = #tpu.dot_dimension_numbers<[1], [1], [0], [0], [0, 0, 1, 0], [], []>, transpose_lhs_hint = false} : vector<768x768xf32>, vector<577x768xf32>, vector<768x577xf32> -> vector<768x577xf32>
    %get3A_217 = arith.constant 0 : index
    %get3A_218 = arith.constant 0 : index
    %get3A_219 = vector.load %arg7[%get3A_217, %get3A_218] : memref<768x1xf32, #tpu.memory_space<vmem>>, vector<768x1xf32>
    %add3A_220 = vector.broadcast %get3A_219 : vector<768x1xf32> to vector<768x577xf32>
    %add3A_221 = arith.addf %dot_general3A_216, %add3A_220 : vector<768x577xf32>
    %slice3A_222 = vector.extract_strided_slice %add3A_221 {offsets = [0, 0], sizes = [64, 577], strides = [1, 1]} : vector<768x577xf32> to vector<64x577xf32>
    %swap3A_223 = arith.constant 0 : index
    %swap3A_224 = arith.constant 0 : index
    %swap3A_225 = arith.constant 0 : index
    %swap3A_226 = arith.constant 0 : index
    %swap3A_227 = vector.load %arg10[%swap3A_223, %swap3A_224, %swap3A_225, %swap3A_226] : memref<1x12x64x577xf32, #tpu.memory_space<vmem>>, vector<1x1x64x577xf32>
    %swap3A_228 = vector.shape_cast %swap3A_227 : vector<1x1x64x577xf32> to vector<64x577xf32>
    %swap3A_229 = vector.shape_cast %slice3A_222 : vector<64x577xf32> to vector<1x1x64x577xf32>
    tpu.vector_store %arg10[%swap3A_223, %swap3A_224, %swap3A_225, %swap3A_226], %swap3A_229 {strides = array<i32>} : memref<1x12x64x577xf32, #tpu.memory_space<vmem>>, vector<1x1x64x577xf32>,
    %slice3A_230 = vector.extract_strided_slice %add3A_221 {offsets = [64, 0], sizes = [64, 577], strides = [1, 1]} : vector<768x577xf32> to vector<64x577xf32>
    %swap3A_231 = arith.constant 0 : index
    %swap3A_232 = arith.constant 1 : index
    %swap3A_233 = arith.constant 0 : index
    %swap3A_234 = arith.constant 0 : index
    %swap3A_235 = vector.load %arg10[%swap3A_231, %swap3A_232, %swap3A_233, %swap3A_234] : memref<1x12x64x577xf32, #tpu.memory_space<vmem>>, vector<1x1x64x577xf32>
    %swap3A_236 = vector.shape_cast %swap3A_235 : vector<1x1x64x577xf32> to vector<64x577xf32>
    %swap3A_237 = vector.shape_cast %slice3A_230 : vector<64x577xf32> to vector<1x1x64x577xf32>
    tpu.vector_store %arg10[%swap3A_231, %swap3A_232, %swap3A_233, %swap3A_234], %swap3A_237 {strides = array<i32>} : memref<1x12x64x577xf32, #tpu.memory_space<vmem>>, vector<1x1x64x577xf32>,
    %slice3A_238 = vector.extract_strided_slice %add3A_221 {offsets = [128, 0], sizes = [64, 577], strides = [1, 1]} : vector<768x577xf32> to vector<64x577xf32>
    %swap3A_239 = arith.constant 0 : index
    %swap3A_240 = arith.constant 2 : index
    %swap3A_241 = arith.constant 0 : index
    %swap3A_242 = arith.constant 0 : index
    %swap3A_243 = vector.load %arg10[%swap3A_239, %swap3A_240, %swap3A_241, %swap3A_242] : memref<1x12x64x577xf32, #tpu.memory_space<vmem>>, vector<1x1x64x577xf32>
    %swap3A_244 = vector.shape_cast %swap3A_243 : vector<1x1x64x577xf32> to vector<64x577xf32>
    %swap3A_245 = vector.shape_cast %slice3A_238 : vector<64x577xf32> to vector<1x1x64x577xf32>
    tpu.vector_store %arg10[%swap3A_239, %swap3A_240, %swap3A_241, %swap3A_242], %swap3A_245 {strides = array<i32>} : memref<1x12x64x577xf32, #tpu.memory_space<vmem>>, vector<1x1x64x577xf32>,
    %slice3A_246 = vector.extract_strided_slice %add3A_221 {offsets = [192, 0], sizes = [64, 577], strides = [1, 1]} : vector<768x577xf32> to vector<64x577xf32>
    %swap3A_247 = arith.constant 0 : index
    %swap3A_248 = arith.constant 3 : index
    %swap3A_249 = arith.constant 0 : index
    %swap3A_250 = arith.constant 0 : index
    %swap3A_251 = vector.load %arg10[%swap3A_247, %swap3A_248, %swap3A_249, %swap3A_250] : memref<1x12x64x577xf32, #tpu.memory_space<vmem>>, vector<1x1x64x577xf32>
    %swap3A_252 = vector.shape_cast %swap3A_251 : vector<1x1x64x577xf32> to vector<64x577xf32>
    %swap3A_253 = vector.shape_cast %slice3A_246 : vector<64x577xf32> to vector<1x1x64x577xf32>
    tpu.vector_store %arg10[%swap3A_247, %swap3A_248, %swap3A_249, %swap3A_250], %swap3A_253 {strides = array<i32>} : memref<1x12x64x577xf32, #tpu.memory_space<vmem>>, vector<1x1x64x577xf32>,
    %slice3A_254 = vector.extract_strided_slice %add3A_221 {offsets = [256, 0], sizes = [64, 577], strides = [1, 1]} : vector<768x577xf32> to vector<64x577xf32>
    %swap3A_255 = arith.constant 0 : index
    %swap3A_256 = arith.constant 4 : index
    %swap3A_257 = arith.constant 0 : index
    %swap3A_258 = arith.constant 0 : index
    %swap3A_259 = vector.load %arg10[%swap3A_255, %swap3A_256, %swap3A_257, %swap3A_258] : memref<1x12x64x577xf32, #tpu.memory_space<vmem>>, vector<1x1x64x577xf32>
    %swap3A_260 = vector.shape_cast %swap3A_259 : vector<1x1x64x577xf32> to vector<64x577xf32>
    %swap3A_261 = vector.shape_cast %slice3A_254 : vector<64x577xf32> to vector<1x1x64x577xf32>
    tpu.vector_store %arg10[%swap3A_255, %swap3A_256, %swap3A_257, %swap3A_258], %swap3A_261 {strides = array<i32>} : memref<1x12x64x577xf32, #tpu.memory_space<vmem>>, vector<1x1x64x577xf32>,
    %slice3A_262 = vector.extract_strided_slice %add3A_221 {offsets = [320, 0], sizes = [64, 577], strides = [1, 1]} : vector<768x577xf32> to vector<64x577xf32>
    %swap3A_263 = arith.constant 0 : index
    %swap3A_264 = arith.constant 5 : index
    %swap3A_265 = arith.constant 0 : index
    %swap3A_266 = arith.constant 0 : index
    %swap3A_267 = vector.load %arg10[%swap3A_263, %swap3A_264, %swap3A_265, %swap3A_266] : memref<1x12x64x577xf32, #tpu.memory_space<vmem>>, vector<1x1x64x577xf32>
    %swap3A_268 = vector.shape_cast %swap3A_267 : vector<1x1x64x577xf32> to vector<64x577xf32>
    %swap3A_269 = vector.shape_cast %slice3A_262 : vector<64x577xf32> to vector<1x1x64x577xf32>
    tpu.vector_store %arg10[%swap3A_263, %swap3A_264, %swap3A_265, %swap3A_266], %swap3A_269 {strides = array<i32>} : memref<1x12x64x577xf32, #tpu.memory_space<vmem>>, vector<1x1x64x577xf32>,
    %slice3A_270 = vector.extract_strided_slice %add3A_221 {offsets = [384, 0], sizes = [64, 577], strides = [1, 1]} : vector<768x577xf32> to vector<64x577xf32>
    %swap3A_271 = arith.constant 0 : index
    %swap3A_272 = arith.constant 6 : index
    %swap3A_273 = arith.constant 0 : index
    %swap3A_274 = arith.constant 0 : index
    %swap3A_275 = vector.load %arg10[%swap3A_271, %swap3A_272, %swap3A_273, %swap3A_274] : memref<1x12x64x577xf32, #tpu.memory_space<vmem>>, vector<1x1x64x577xf32>
    %swap3A_276 = vector.shape_cast %swap3A_275 : vector<1x1x64x577xf32> to vector<64x577xf32>
    %swap3A_277 = vector.shape_cast %slice3A_270 : vector<64x577xf32> to vector<1x1x64x577xf32>
    tpu.vector_store %arg10[%swap3A_271, %swap3A_272, %swap3A_273, %swap3A_274], %swap3A_277 {strides = array<i32>} : memref<1x12x64x577xf32, #tpu.memory_space<vmem>>, vector<1x1x64x577xf32>,
    %slice3A_278 = vector.extract_strided_slice %add3A_221 {offsets = [448, 0], sizes = [64, 577], strides = [1, 1]} : vector<768x577xf32> to vector<64x577xf32>
    %swap3A_279 = arith.constant 0 : index
    %swap3A_280 = arith.constant 7 : index
    %swap3A_281 = arith.constant 0 : index
    %swap3A_282 = arith.constant 0 : index
    %swap3A_283 = vector.load %arg10[%swap3A_279, %swap3A_280, %swap3A_281, %swap3A_282] : memref<1x12x64x577xf32, #tpu.memory_space<vmem>>, vector<1x1x64x577xf32>
    %swap3A_284 = vector.shape_cast %swap3A_283 : vector<1x1x64x577xf32> to vector<64x577xf32>
    %swap3A_285 = vector.shape_cast %slice3A_278 : vector<64x577xf32> to vector<1x1x64x577xf32>
    tpu.vector_store %arg10[%swap3A_279, %swap3A_280, %swap3A_281, %swap3A_282], %swap3A_285 {strides = array<i32>} : memref<1x12x64x577xf32, #tpu.memory_space<vmem>>, vector<1x1x64x577xf32>,
    %slice3A_286 = vector.extract_strided_slice %add3A_221 {offsets = [512, 0], sizes = [64, 577], strides = [1, 1]} : vector<768x577xf32> to vector<64x577xf32>
    %swap3A_287 = arith.constant 0 : index
    %swap3A_288 = arith.constant 8 : index
    %swap3A_289 = arith.constant 0 : index
    %swap3A_290 = arith.constant 0 : index
    %swap3A_291 = vector.load %arg10[%swap3A_287, %swap3A_288, %swap3A_289, %swap3A_290] : memref<1x12x64x577xf32, #tpu.memory_space<vmem>>, vector<1x1x64x577xf32>
    %swap3A_292 = vector.shape_cast %swap3A_291 : vector<1x1x64x577xf32> to vector<64x577xf32>
    %swap3A_293 = vector.shape_cast %slice3A_286 : vector<64x577xf32> to vector<1x1x64x577xf32>
    tpu.vector_store %arg10[%swap3A_287, %swap3A_288, %swap3A_289, %swap3A_290], %swap3A_293 {strides = array<i32>} : memref<1x12x64x577xf32, #tpu.memory_space<vmem>>, vector<1x1x64x577xf32>,
    %slice3A_294 = vector.extract_strided_slice %add3A_221 {offsets = [576, 0], sizes = [64, 577], strides = [1, 1]} : vector<768x577xf32> to vector<64x577xf32>
    %swap3A_295 = arith.constant 0 : index
    %swap3A_296 = arith.constant 9 : index
    %swap3A_297 = arith.constant 0 : index
    %swap3A_298 = arith.constant 0 : index
    %swap3A_299 = vector.load %arg10[%swap3A_295, %swap3A_296, %swap3A_297, %swap3A_298] : memref<1x12x64x577xf32, #tpu.memory_space<vmem>>, vector<1x1x64x577xf32>
    %swap3A_300 = vector.shape_cast %swap3A_299 : vector<1x1x64x577xf32> to vector<64x577xf32>
    %swap3A_301 = vector.shape_cast %slice3A_294 : vector<64x577xf32> to vector<1x1x64x577xf32>
    tpu.vector_store %arg10[%swap3A_295, %swap3A_296, %swap3A_297, %swap3A_298], %swap3A_301 {strides = array<i32>} : memref<1x12x64x577xf32, #tpu.memory_space<vmem>>, vector<1x1x64x577xf32>,
    %slice3A_302 = vector.extract_strided_slice %add3A_221 {offsets = [640, 0], sizes = [64, 577], strides = [1, 1]} : vector<768x577xf32> to vector<64x577xf32>
    %swap3A_303 = arith.constant 0 : index
    %swap3A_304 = arith.constant 10 : index
    %swap3A_305 = arith.constant 0 : index
    %swap3A_306 = arith.constant 0 : index
    %swap3A_307 = vector.load %arg10[%swap3A_303, %swap3A_304, %swap3A_305, %swap3A_306] : memref<1x12x64x577xf32, #tpu.memory_space<vmem>>, vector<1x1x64x577xf32>
    %swap3A_308 = vector.shape_cast %swap3A_307 : vector<1x1x64x577xf32> to vector<64x577xf32>
    %swap3A_309 = vector.shape_cast %slice3A_302 : vector<64x577xf32> to vector<1x1x64x577xf32>
    tpu.vector_store %arg10[%swap3A_303, %swap3A_304, %swap3A_305, %swap3A_306], %swap3A_309 {strides = array<i32>} : memref<1x12x64x577xf32, #tpu.memory_space<vmem>>, vector<1x1x64x577xf32>,
    %slice3A_310 = vector.extract_strided_slice %add3A_221 {offsets = [704, 0], sizes = [64, 577], strides = [1, 1]} : vector<768x577xf32> to vector<64x577xf32>
    %swap3A_311 = arith.constant 0 : index
    %swap3A_312 = arith.constant 11 : index
    %swap3A_313 = arith.constant 0 : index
    %swap3A_314 = arith.constant 0 : index
    %swap3A_315 = vector.load %arg10[%swap3A_311, %swap3A_312, %swap3A_313, %swap3A_314] : memref<1x12x64x577xf32, #tpu.memory_space<vmem>>, vector<1x1x64x577xf32>
    %swap3A_316 = vector.shape_cast %swap3A_315 : vector<1x1x64x577xf32> to vector<64x577xf32>
    %swap3A_317 = vector.shape_cast %slice3A_310 : vector<64x577xf32> to vector<1x1x64x577xf32>
    tpu.vector_store %arg10[%swap3A_311, %swap3A_312, %swap3A_313, %swap3A_314], %swap3A_317 {strides = array<i32>} : memref<1x12x64x577xf32, #tpu.memory_space<vmem>>, vector<1x1x64x577xf32>,
    %iota3A = tpu.iota {dimensions = array<i32: 0>} : vector<768x12xi32>
    %iota3A_318 = tpu.iota {dimensions = array<i32: 1>} : vector<768x12xi32>
    %jit3A = arith.constant 64 : i32
    %div3A = vector.broadcast %jit3A : i32 to vector<768x12xi32>
    %div3A_319 = arith.divsi %iota3A, %div3A : vector<768x12xi32>
    %sign3A = arith.constant 0 : i32
    %sign3A_320 = vector.broadcast %sign3A : i32 to vector<768x12xi32>
    %sign3A_321 = arith.cmpi sgt, %iota3A, %sign3A_320 : vector<768x12xi32>
    %sign3A_322 = arith.extui %sign3A_321 : vector<768x12xi1> to vector<768x12xi32>
    %sign3A_323 = arith.constant 0 : i32
    %sign3A_324 = vector.broadcast %sign3A_323 : i32 to vector<768x12xi32>
    %sign3A_325 = arith.cmpi slt, %iota3A, %sign3A_324 : vector<768x12xi32>
    %sign3A_326 = arith.extui %sign3A_325 : vector<768x12xi1> to vector<768x12xi32>
    %sign3A_327 = arith.subi %sign3A_322, %sign3A_326 : vector<768x12xi32>
    %sign3A_328 = arith.constant 0 : i32
    %sign3A_329 = arith.cmpi sgt, %jit3A, %sign3A_328 : i32
    %sign3A_330 = arith.extui %sign3A_329 : i1 to i32
    %sign3A_331 = arith.constant 0 : i32
    %sign3A_332 = arith.cmpi slt, %jit3A, %sign3A_331 : i32
    %sign3A_333 = arith.extui %sign3A_332 : i1 to i32
    %sign3A_334 = arith.subi %sign3A_330, %sign3A_333 : i32
    %ne3A = vector.broadcast %sign3A_334 : i32 to vector<768x12xi32>
    %ne3A_335 = arith.cmpi ne, %sign3A_327, %ne3A : vector<768x12xi32>
    %rem3A = vector.broadcast %jit3A : i32 to vector<768x12xi32>
    %rem3A_336 = arith.remsi %iota3A, %rem3A : vector<768x12xi32>
    %ne3A_337 = arith.constant 0 : i32
    %ne3A_338 = vector.broadcast %ne3A_337 : i32 to vector<768x12xi32>
    %ne3A_339 = arith.cmpi ne, %rem3A_336, %ne3A_338 : vector<768x12xi32>
    %and3A = arith.andi %ne3A_335, %ne3A_339 : vector<768x12xi1>
    %sub3A = arith.constant 1 : i32
    %sub3A_340 = vector.broadcast %sub3A : i32 to vector<768x12xi32>
    %sub3A_341 = arith.subi %div3A_319, %sub3A_340 : vector<768x12xi32>
    %select_n3A = arith.select %and3A, %sub3A_341, %div3A_319 : vector<768x12xi1>, vector<768x12xi32>
    %eq3A = arith.cmpi eq, %select_n3A, %iota3A_318 : vector<768x12xi32>
    %slice3A_342 = vector.extract_strided_slice %add3A_11 {offsets = [0, 0], sizes = [768, 1], strides = [1, 1]} : vector<768x577xf32> to vector<768x1xf32>
    %jit3A_343 = arith.constant 0.000000e+00 : f32
    %broadcast_in_dim3A = vector.shape_cast %slice3A_342 : vector<768x1xf32> to vector<768x1xf32>
    %broadcast_in_dim3A_344 = vector.broadcast %broadcast_in_dim3A : vector<768x1xf32> to vector<768x12xf32>
    %broadcast_in_dim3A_345 = vector.broadcast %jit3A_343 : f32 to vector<768x12xf32>
    %select_n3A_346 = arith.select %eq3A, %broadcast_in_dim3A_344, %broadcast_in_dim3A_345 : vector<768x12xi1>, vector<768x12xf32>
    %dot_general3A_347 = arith.constant dense<0.000000e+00> : vector<12x577xf32>
    %dot_general3A_348 = tpu.matmul %select_n3A_346, %add3A_115, %dot_general3A_347 {dimension_numbers = #tpu.dot_dimension_numbers<[0], [0], [1], [1], [0, 1, 1, 1], [], []>, precision = #tpu.contract_precision<fp32>, transpose_lhs_hint = false} : vector<768x12xf32>, vector<768x577xf32>, vector<12x577xf32> -> vector<12x577xf32>
    %jit3A_349 = arith.constant 1.000000e+00 : f32
    %jit3A_350 = arith.constant 0.000000e+00 : f32
    %broadcast_in_dim3A_351 = vector.broadcast %jit3A_349 : f32 to vector<768x12xf32>
    %broadcast_in_dim3A_352 = vector.broadcast %jit3A_350 : f32 to vector<768x12xf32>
    %select_n3A_353 = arith.select %eq3A, %broadcast_in_dim3A_351, %broadcast_in_dim3A_352 : vector<768x12xi1>, vector<768x12xf32>
    %mul3A = arith.mulf %add3A_115, %add3A_115 : vector<768x577xf32>
    %dot_general3A_354 = arith.constant dense<0.000000e+00> : vector<12x577xf32>
    %dot_general3A_355 = tpu.matmul %select_n3A_353, %mul3A, %dot_general3A_354 {dimension_numbers = #tpu.dot_dimension_numbers<[0], [0], [1], [1], [0, 1, 1, 1], [], []>, precision = #tpu.contract_precision<fp32>, transpose_lhs_hint = false} : vector<768x12xf32>, vector<768x577xf32>, vector<12x577xf32> -> vector<12x577xf32>
    %dot_general3A_356 = arith.constant dense<0.000000e+00> : vector<12x1xf32>
    %dot_general3A_357 = tpu.matmul %select_n3A_346, %slice3A_342, %dot_general3A_356 {dimension_numbers = #tpu.dot_dimension_numbers<[0], [0], [1], [1], [0, 1, 1, 1], [], []>, precision = #tpu.contract_precision<fp32>, transpose_lhs_hint = false} : vector<768x12xf32>, vector<768x1xf32>, vector<12x1xf32> -> vector<12x1xf32>
    %add3A_358 = vector.broadcast %dot_general3A_357 : vector<12x1xf32> to vector<12x577xf32>
    %add3A_359 = arith.addf %add3A_358, %dot_general3A_355 : vector<12x577xf32>
    %mul3A_360 = arith.constant 2.000000e+00 : f32
    %mul3A_361 = vector.broadcast %mul3A_360 : f32 to vector<12x577xf32>
    %mul3A_362 = arith.mulf %mul3A_361, %dot_general3A_348 : vector<12x577xf32>
    %sub3A_363 = arith.subf %add3A_359, %mul3A_362 : vector<12x577xf32>
    %max3A = arith.constant 0.000000e+00 : f32
    %max3A_364 = vector.broadcast %max3A : f32 to vector<12x577xf32>
    %max3A_365 = arith.maximumf %sub3A_363, %max3A_364 : vector<12x577xf32>
    %broadcast_in_dim3A_366 = arith.constant 3.000000e+38 : f32
    %broadcast_in_dim3A_367 = vector.broadcast %broadcast_in_dim3A_366 : f32 to vector<12x15xf32>
    %concatenate3A = tpu.concatenate %max3A_365, %broadcast_in_dim3A_367 in 1 : vector<12x577xf32>, vector<12x15xf32> -> vector<12x592xf32>
    %bitcast_convert_type3A = tpu.bitcast %concatenate3A : vector<12x592xf32> -> vector<12x592xi32>
    %swap3A_368 = arith.constant 0 : index
    %swap3A_369 = arith.constant 0 : index
    %swap3A_370 = arith.constant 0 : index
    %swap3A_371 = arith.constant 0 : index
    %swap3A_372 = vector.load %arg11[%swap3A_368, %swap3A_369, %swap3A_370, %swap3A_371] : memref<1x12x1x592xi32, #tpu.memory_space<vmem>>, vector<1x12x1x592xi32>
    %swap3A_373 = vector.shape_cast %swap3A_372 : vector<1x12x1x592xi32> to vector<12x592xi32>
    %swap3A_374 = vector.shape_cast %bitcast_convert_type3A : vector<12x592xi32> to vector<1x12x1x592xi32>
    tpu.vector_store %arg11[%swap3A_368, %swap3A_369, %swap3A_370, %swap3A_371], %swap3A_374 {strides = array<i32>} : memref<1x12x1x592xi32, #tpu.memory_space<vmem>>, vector<1x12x1x592xi32>,
    return
  }
  func.func @transform_0(%arg0: i32) -> (i32, i32, i32) {
    %c0_i32 = arith.constant 0 : i32
    %c0_i32_0 = arith.constant 0 : i32
    %c0_i32_1 = arith.constant 0 : i32
    return %arg0, %c0_i32, %c0_i32_0 : i32, i32, i32
  }
  func.func @transform_1(%arg0: i32) -> (i32, i32) {
    %c0_i32 = arith.constant 0 : i32
    %c0_i32_0 = arith.constant 0 : i32
    %c0_i32_1 = arith.constant 0 : i32
    return %c0_i32, %c0_i32_0 : i32, i32
  }
  func.func @transform_2(%arg0: i32) -> (i32, i32) {
    %c0_i32 = arith.constant 0 : i32
    %c0_i32_0 = arith.constant 0 : i32
    %c0_i32_1 = arith.constant 0 : i32
    return %c0_i32, %c0_i32_0 : i32, i32
  }
  func.func @transform_3(%arg0: i32) -> (i32, i32) {
    %c0_i32 = arith.constant 0 : i32
    %c0_i32_0 = arith.constant 0 : i32
    %c0_i32_1 = arith.constant 0 : i32
    return %c0_i32, %c0_i32_0 : i32, i32
  }
  func.func @transform_4(%arg0: i32) -> (i32, i32) {
    %c0_i32 = arith.constant 0 : i32
    %c0_i32_0 = arith.constant 0 : i32
    %c0_i32_1 = arith.constant 0 : i32
    return %c0_i32, %c0_i32_0 : i32, i32
  }
  func.func @transform_5(%arg0: i32) -> (i32, i32) {
    %c0_i32 = arith.constant 0 : i32
    %c0_i32_0 = arith.constant 0 : i32
    %c0_i32_1 = arith.constant 0 : i32
    return %c0_i32, %c0_i32_0 : i32, i32
  }
  func.func @transform_6(%arg0: i32) -> (i32, i32) {
    %c0_i32 = arith.constant 0 : i32
    %c0_i32_0 = arith.constant 0 : i32
    %c0_i32_1 = arith.constant 0 : i32
    return %c0_i32, %c0_i32_0 : i32, i32
  }
  func.func @transform_7(%arg0: i32) -> (i32, i32, i32, i32) {
    %c0_i32 = arith.constant 0 : i32
    %c0_i32_0 = arith.constant 0 : i32
    %c0_i32_1 = arith.constant 0 : i32
    %c0_i32_2 = arith.constant 0 : i32
    return %arg0, %c0_i32, %c0_i32_0, %c0_i32_1 : i32, i32, i32, i32
  }
  func.func @transform_8(%arg0: i32) -> (i32, i32, i32, i32) {
    %c0_i32 = arith.constant 0 : i32
    %c0_i32_0 = arith.constant 0 : i32
    %c0_i32_1 = arith.constant 0 : i32
    %c0_i32_2 = arith.constant 0 : i32
    return %arg0, %c0_i32, %c0_i32_0, %c0_i32_1 : i32, i32, i32, i32
  }
  func.func @transform_9(%arg0: i32) -> (i32, i32, i32, i32) {
    %c0_i32 = arith.constant 0 : i32
    %c0_i32_0 = arith.constant 0 : i32
    %c0_i32_1 = arith.constant 0 : i32
    %c0_i32_2 = arith.constant 0 : i32
    return %arg0, %c0_i32, %c0_i32_0, %c0_i32_1 : i32, i32, i32, i32
  }
  func.func @transform_10(%arg0: i32) -> (i32, i32, i32, i32) {
    %c0_i32 = arith.constant 0 : i32
    %c0_i32_0 = arith.constant 0 : i32
    %c0_i32_1 = arith.constant 0 : i32
    %c0_i32_2 = arith.constant 0 : i32
    return %arg0, %c0_i32, %c0_i32_0, %c0_i32_1 : i32, i32, i32, i32
  }
}

module attributes {stable_mosaic.version = 14 : i64} {
  func.func @_attn_body(%arg0: i32, %arg1: i32, %arg2: memref<1xf32, #tpu.memory_space<smem>>, %arg3: memref<1x1x64x577xf32, #tpu.memory_space<vmem>>, %arg4: memref<1x1x64x577xf32, #tpu.memory_space<vmem>>, %arg5: memref<1x1x64x577xf32, #tpu.memory_space<vmem>>, %arg6: memref<1x1x1x592xf32, #tpu.memory_space<vmem>>, %arg7: memref<577x577xf32, #tpu.memory_space<vmem>>, %arg8: memref<64x768xf32, #tpu.memory_space<vmem>>, %arg9: memref<1x768xf32, #tpu.memory_space<vmem>>, %arg10: memref<1x1x577x577xf32, #tpu.memory_space<vmem>>, %arg11: memref<1x1x577x577xf32, #tpu.memory_space<vmem>>, %arg12: memref<1x577x768xf32, #tpu.memory_space<vmem>>) attributes {dimension_semantics = [#tpu.dimension_semantics<parallel>, #tpu.dimension_semantics<arbitrary>], iteration_bounds = array<i64: 8, 12>, scalar_prefetch = 0 : i64, scratch_operands = 0 : i64, tpu.core_type = #tpu.core_type<tc>, window_params = [{transform_indices = @transform_0, window_bounds = array<i64: 1>}, {transform_indices = @transform_1, window_bounds = array<i64: 1, 1, 64, 577>}, {transform_indices = @transform_2, window_bounds = array<i64: 1, 1, 64, 577>}, {transform_indices = @transform_3, window_bounds = array<i64: 1, 1, 64, 577>}, {transform_indices = @transform_4, window_bounds = array<i64: 1, 1, 1, 592>}, {pipeline_mode = #tpu.pipeline_mode<synchronous>, transform_indices = @transform_5, window_bounds = array<i64: 577, 577>}, {transform_indices = @transform_6, window_bounds = array<i64: 64, 768>}, {pipeline_mode = #tpu.pipeline_mode<synchronous>, transform_indices = @transform_7, window_bounds = array<i64: 1, 768>}, {transform_indices = @transform_8, window_bounds = array<i64: 1, 1, 577, 577>}, {transform_indices = @transform_9, window_bounds = array<i64: 1, 1, 577, 577>}, {transform_indices = @transform_10, window_bounds = array<i64: 1, 577, 768>}]} {
    %get3A = arith.constant 0 : index
    %get3A_0 = arith.constant 0 : index
    %get3A_1 = arith.constant 0 : index
    %get3A_2 = arith.constant 0 : index
    %get3A_3 = vector.load %arg3[%get3A, %get3A_0, %get3A_1, %get3A_2] : memref<1x1x64x577xf32, #tpu.memory_space<vmem>>, vector<1x1x64x577xf32>
    %get3A_4 = vector.shape_cast %get3A_3 : vector<1x1x64x577xf32> to vector<64x577xf32>
    %get3A_5 = arith.constant 0 : index
    %get3A_6 = arith.constant 0 : index
    %get3A_7 = arith.constant 0 : index
    %get3A_8 = arith.constant 0 : index
    %get3A_9 = vector.load %arg4[%get3A_5, %get3A_6, %get3A_7, %get3A_8] : memref<1x1x64x577xf32, #tpu.memory_space<vmem>>, vector<1x1x64x577xf32>
    %get3A_10 = vector.shape_cast %get3A_9 : vector<1x1x64x577xf32> to vector<64x577xf32>
    %get3A_11 = arith.constant 0 : index
    %get3A_12 = arith.constant 0 : index
    %get3A_13 = arith.constant 0 : index
    %get3A_14 = arith.constant 0 : index
    %get3A_15 = vector.load %arg5[%get3A_11, %get3A_12, %get3A_13, %get3A_14] : memref<1x1x64x577xf32, #tpu.memory_space<vmem>>, vector<1x1x64x577xf32>
    %get3A_16 = vector.shape_cast %get3A_15 : vector<1x1x64x577xf32> to vector<64x577xf32>
    %get3A_17 = arith.constant 0 : index
    %get3A_18 = memref.load %arg2[%get3A_17] : memref<1xf32, #tpu.memory_space<smem>>
    %mul3A = arith.constant -2.000000e+00 : f32
    %mul3A_19 = arith.mulf %mul3A, %get3A_18 : f32
    %exp3A = math.exp %mul3A_19 : f32
    %mul3A_20 = arith.constant -5.000000e-01 : f32
    %mul3A_21 = arith.mulf %mul3A_20, %exp3A : f32
    %broadcast_in_dim3A = arith.constant 1.000000e+00 : f32
    %broadcast_in_dim3A_22 = vector.broadcast %broadcast_in_dim3A : f32 to vector<64x1xf32>
    %mul3A_23 = arith.mulf %get3A_4, %get3A_4 : vector<64x577xf32>
    %dot_general3A = arith.constant dense<0.000000e+00> : vector<577x1xf32>
    %dot_general3A_24 = tpu.matmul %mul3A_23, %broadcast_in_dim3A_22, %dot_general3A {dimension_numbers = #tpu.dot_dimension_numbers<[0], [0], [1], [1], [0, 1, 1, 1], [], []>, precision = #tpu.contract_precision<fp32>, transpose_lhs_hint = false} : vector<64x577xf32>, vector<64x1xf32>, vector<577x1xf32> -> vector<577x1xf32>
    %mul3A_25 = arith.mulf %get3A_10, %get3A_10 : vector<64x577xf32>
    %dot_general3A_26 = arith.constant dense<0.000000e+00> : vector<1x577xf32>
    %dot_general3A_27 = tpu.matmul %broadcast_in_dim3A_22, %mul3A_25, %dot_general3A_26 {dimension_numbers = #tpu.dot_dimension_numbers<[0], [0], [1], [1], [0, 1, 1, 1], [], []>, precision = #tpu.contract_precision<fp32>, transpose_lhs_hint = false} : vector<64x1xf32>, vector<64x577xf32>, vector<1x577xf32> -> vector<1x577xf32>
    %dot_general3A_28 = arith.constant dense<0.000000e+00> : vector<577x577xf32>
    %dot_general3A_29 = tpu.matmul %get3A_4, %get3A_10, %dot_general3A_28 {dimension_numbers = #tpu.dot_dimension_numbers<[0], [0], [1], [1], [0, 1, 1, 1], [], []>, precision = #tpu.contract_precision<fp32>, transpose_lhs_hint = false} : vector<64x577xf32>, vector<64x577xf32>, vector<577x577xf32> -> vector<577x577xf32>
    %add3A = vector.broadcast %dot_general3A_24 : vector<577x1xf32> to vector<577x577xf32>
    %add3A_30 = vector.broadcast %dot_general3A_27 : vector<1x577xf32> to vector<577x577xf32>
    %add3A_31 = arith.addf %add3A, %add3A_30 : vector<577x577xf32>
    %mul3A_32 = arith.constant 2.000000e+00 : f32
    %mul3A_33 = vector.broadcast %mul3A_32 : f32 to vector<577x577xf32>
    %mul3A_34 = arith.mulf %mul3A_33, %dot_general3A_29 : vector<577x577xf32>
    %sub3A = arith.subf %add3A_31, %mul3A_34 : vector<577x577xf32>
    %mul3A_35 = vector.broadcast %mul3A_21 : f32 to vector<577x577xf32>
    %mul3A_36 = arith.mulf %mul3A_35, %sub3A : vector<577x577xf32>
    %min3A = arith.constant 0.000000e+00 : f32
    %min3A_37 = vector.broadcast %min3A : f32 to vector<577x577xf32>
    %min3A_38 = arith.minimumf %mul3A_36, %min3A_37 : vector<577x577xf32>
    %get3A_39 = arith.constant 0 : index
    %get3A_40 = arith.constant 0 : index
    %get3A_41 = arith.constant 0 : index
    %get3A_42 = arith.constant 0 : index
    %get3A_43 = vector.load %arg6[%get3A_39, %get3A_40, %get3A_41, %get3A_42] : memref<1x1x1x592xf32, #tpu.memory_space<vmem>>, vector<1x1x1x592xf32>
    %get3A_44 = vector.shape_cast %get3A_43 : vector<1x1x1x592xf32> to vector<1x592xf32>
    %slice3A = vector.extract_strided_slice %get3A_44 {offsets = [0, 0], sizes = [1, 577], strides = [1, 1]} : vector<1x592xf32> to vector<1x577xf32>
    %iota3A = tpu.iota {dimensions = array<i32: 0>} : vector<577x1xi32>
    %get3A_45 = arith.constant 0 : index
    %get3A_46 = arith.constant 0 : index
    %get3A_47 = vector.load %arg7[%get3A_45, %get3A_46] : memref<577x577xf32, #tpu.memory_space<vmem>>, vector<577x577xf32>
    %eq3A = arith.constant 0.000000e+00 : f32
    %eq3A_48 = vector.broadcast %eq3A : f32 to vector<577x577xf32>
    %eq3A_49 = arith.cmpf oeq, %get3A_47, %eq3A_48 : vector<577x577xf32>
    %eq3A_50 = arith.constant 0 : i32
    %eq3A_51 = vector.broadcast %eq3A_50 : i32 to vector<577x1xi32>
    %eq3A_52 = arith.cmpi eq, %iota3A, %eq3A_51 : vector<577x1xi32>
    %le3A = arith.constant 0.000000e+00 : f32
    %le3A_53 = vector.broadcast %le3A : f32 to vector<1x577xf32>
    %le3A_54 = arith.cmpf ole, %slice3A, %le3A_53 : vector<1x577xf32>
    %and3A = vector.broadcast %eq3A_52 : vector<577x1xi1> to vector<577x577xi1>
    %and3A_55 = vector.broadcast %le3A_54 : vector<1x577xi1> to vector<577x577xi1>
    %and3A_56 = arith.andi %and3A, %and3A_55 : vector<577x577xi1>
    %or3A = arith.ori %eq3A_49, %and3A_56 : vector<577x577xi1>
    %jit3A = arith.constant 0xFF800000 : f32
    %broadcast_in_dim3A_57 = vector.broadcast %jit3A : f32 to vector<577x577xf32>
    %select_n3A = arith.select %or3A, %broadcast_in_dim3A_57, %min3A_38 : vector<577x577xi1>, vector<577x577xf32>
    %reduce_max3A = arith.constant dense<0xFF800000> : vector<577xf32>
    %reduce_max3A_58 = vector.multi_reduction <maximumf>, %select_n3A, %reduce_max3A [1] : vector<577x577xf32> to vector<577xf32>
    %broadcast_in_dim3A_59 = vector.shape_cast %reduce_max3A_58 : vector<577xf32> to vector<577x1xf32>
    %sub3A_60 = vector.broadcast %broadcast_in_dim3A_59 : vector<577x1xf32> to vector<577x577xf32>
    %sub3A_61 = arith.subf %select_n3A, %sub3A_60 : vector<577x577xf32>
    %exp3A_62 = math.exp %sub3A_61 : vector<577x577xf32>
    %reduce_sum3A = arith.constant dense<0.000000e+00> : vector<577xf32>
    %reduce_sum3A_63 = vector.multi_reduction <add>, %exp3A_62, %reduce_sum3A [1] : vector<577x577xf32> to vector<577xf32>
    %broadcast_in_dim3A_64 = vector.shape_cast %reduce_sum3A_63 : vector<577xf32> to vector<577x1xf32>
    %div3A = arith.constant 1.000000e+00 : f32
    %div3A_65 = vector.broadcast %div3A : f32 to vector<577x1xf32>
    %div3A_66 = arith.divf %div3A_65, %broadcast_in_dim3A_64 : vector<577x1xf32>
    %mul3A_67 = vector.broadcast %div3A_66 : vector<577x1xf32> to vector<577x577xf32>
    %mul3A_68 = arith.mulf %exp3A_62, %mul3A_67 : vector<577x577xf32>
    %swap3A = arith.constant 0 : index
    %swap3A_69 = arith.constant 0 : index
    %swap3A_70 = arith.constant 0 : index
    %swap3A_71 = arith.constant 0 : index
    %swap3A_72 = vector.load %arg10[%swap3A, %swap3A_69, %swap3A_70, %swap3A_71] : memref<1x1x577x577xf32, #tpu.memory_space<vmem>>, vector<1x1x577x577xf32>
    %swap3A_73 = vector.shape_cast %swap3A_72 : vector<1x1x577x577xf32> to vector<577x577xf32>
    %swap3A_74 = vector.shape_cast %mul3A_68 : vector<577x577xf32> to vector<1x1x577x577xf32>
    tpu.vector_store %arg10[%swap3A, %swap3A_69, %swap3A_70, %swap3A_71], %swap3A_74 {strides = array<i32>} : memref<1x1x577x577xf32, #tpu.memory_space<vmem>>, vector<1x1x577x577xf32>,
    %gt3A = arith.constant 9.99999997E-7 : f32
    %gt3A_75 = vector.broadcast %gt3A : f32 to vector<577x577xf32>
    %gt3A_76 = arith.cmpf ogt, %mul3A_68, %gt3A_75 : vector<577x577xf32>
    %convert_element_type3A = arith.extui %gt3A_76 : vector<577x577xi1> to vector<577x577xi32>
    %convert_element_type3A_77 = arith.sitofp %convert_element_type3A : vector<577x577xi32> to vector<577x577xf32>
    %swap3A_78 = arith.constant 0 : index
    %swap3A_79 = arith.constant 0 : index
    %swap3A_80 = arith.constant 0 : index
    %swap3A_81 = arith.constant 0 : index
    %swap3A_82 = vector.load %arg11[%swap3A_78, %swap3A_79, %swap3A_80, %swap3A_81] : memref<1x1x577x577xf32, #tpu.memory_space<vmem>>, vector<1x1x577x577xf32>
    %swap3A_83 = vector.shape_cast %swap3A_82 : vector<1x1x577x577xf32> to vector<577x577xf32>
    %swap3A_84 = vector.shape_cast %convert_element_type3A_77 : vector<577x577xf32> to vector<1x1x577x577xf32>
    tpu.vector_store %arg11[%swap3A_78, %swap3A_79, %swap3A_80, %swap3A_81], %swap3A_84 {strides = array<i32>} : memref<1x1x577x577xf32, #tpu.memory_space<vmem>>, vector<1x1x577x577xf32>,
    %dot_general3A_85 = arith.constant dense<0.000000e+00> : vector<577x64xf32>
    %dot_general3A_86 = tpu.matmul %mul3A_68, %get3A_16, %dot_general3A_85 {dimension_numbers = #tpu.dot_dimension_numbers<[1], [1], [0], [0], [0, 0, 1, 0], [], []>, transpose_lhs_hint = false} : vector<577x577xf32>, vector<64x577xf32>, vector<577x64xf32> -> vector<577x64xf32>
    %get3A_87 = arith.constant 0 : index
    %get3A_88 = arith.constant 0 : index
    %get3A_89 = vector.load %arg8[%get3A_87, %get3A_88] : memref<64x768xf32, #tpu.memory_space<vmem>>, vector<64x768xf32>
    %dot_general3A_90 = arith.constant dense<0.000000e+00> : vector<577x768xf32>
    %dot_general3A_91 = tpu.matmul %dot_general3A_86, %get3A_89, %dot_general3A_90 {dimension_numbers = #tpu.dot_dimension_numbers<[1], [0], [0], [1], [0, 0, 1, 1], [], []>, transpose_lhs_hint = false} : vector<577x64xf32>, vector<64x768xf32>, vector<577x768xf32> -> vector<577x768xf32>
    %eq3A_92 = arith.constant 0 : i32
    %eq3A_93 = arith.cmpi eq, %arg1, %eq3A_92 : i32
    %convert_element_type3A_94 = arith.extui %eq3A_93 : i1 to i32
    %cond3A = arith.constant 0 : i32
    %cond3A_95 = arith.cmpi ne, %convert_element_type3A_94, %cond3A : i32
    scf.if %cond3A_95 {
      %get3A_101 = arith.constant 0 : index
      %get3A_102 = arith.constant 0 : index
      %get3A_103 = vector.load %arg9[%get3A_101, %get3A_102] : memref<1x768xf32, #tpu.memory_space<vmem>>, vector<1x768xf32>
      %add3A_104 = vector.broadcast %get3A_103 : vector<1x768xf32> to vector<577x768xf32>
      %add3A_105 = arith.addf %dot_general3A_91, %add3A_104 : vector<577x768xf32>
      %swap3A_106 = arith.constant 0 : index
      %swap3A_107 = arith.constant 0 : index
      %swap3A_108 = arith.constant 0 : index
      %swap3A_109 = vector.load %arg12[%swap3A_106, %swap3A_107, %swap3A_108] : memref<1x577x768xf32, #tpu.memory_space<vmem>>, vector<1x577x768xf32>
      %swap3A_110 = vector.shape_cast %swap3A_109 : vector<1x577x768xf32> to vector<577x768xf32>
      %swap3A_111 = vector.shape_cast %add3A_105 : vector<577x768xf32> to vector<1x577x768xf32>
      tpu.vector_store %arg12[%swap3A_106, %swap3A_107, %swap3A_108], %swap3A_111 {strides = array<i32>} : memref<1x577x768xf32, #tpu.memory_space<vmem>>, vector<1x577x768xf32>,
    } else {
    }
    %gt3A_96 = arith.constant 0 : i32
    %gt3A_97 = arith.cmpi sgt, %arg1, %gt3A_96 : i32
    %convert_element_type3A_98 = arith.extui %gt3A_97 : i1 to i32
    %cond3A_99 = arith.constant 0 : i32
    %cond3A_100 = arith.cmpi ne, %convert_element_type3A_98, %cond3A_99 : i32
    scf.if %cond3A_100 {
      %get3A_101 = arith.constant 0 : index
      %get3A_102 = arith.constant 0 : index
      %get3A_103 = arith.constant 0 : index
      %get3A_104 = vector.load %arg12[%get3A_101, %get3A_102, %get3A_103] : memref<1x577x768xf32, #tpu.memory_space<vmem>>, vector<1x577x768xf32>
      %get3A_105 = vector.shape_cast %get3A_104 : vector<1x577x768xf32> to vector<577x768xf32>
      %add3A_106 = arith.addf %get3A_105, %dot_general3A_91 : vector<577x768xf32>
      %swap3A_107 = arith.constant 0 : index
      %swap3A_108 = arith.constant 0 : index
      %swap3A_109 = arith.constant 0 : index
      %swap3A_110 = vector.load %arg12[%swap3A_107, %swap3A_108, %swap3A_109] : memref<1x577x768xf32, #tpu.memory_space<vmem>>, vector<1x577x768xf32>
      %swap3A_111 = vector.shape_cast %swap3A_110 : vector<1x577x768xf32> to vector<577x768xf32>
      %swap3A_112 = vector.shape_cast %add3A_106 : vector<577x768xf32> to vector<1x577x768xf32>
      tpu.vector_store %arg12[%swap3A_107, %swap3A_108, %swap3A_109], %swap3A_112 {strides = array<i32>} : memref<1x577x768xf32, #tpu.memory_space<vmem>>, vector<1x577x768xf32>,
    } else {
    }
    return
  }
  func.func @transform_0(%arg0: i32, %arg1: i32) -> i32 {
    %c0_i32 = arith.constant 0 : i32
    %c0_i32_0 = arith.constant 0 : i32
    return %c0_i32 : i32
  }
  func.func @transform_1(%arg0: i32, %arg1: i32) -> (i32, i32, i32, i32) {
    %c0_i32 = arith.constant 0 : i32
    %c0_i32_0 = arith.constant 0 : i32
    %c0_i32_1 = arith.constant 0 : i32
    return %arg0, %arg1, %c0_i32, %c0_i32_0 : i32, i32, i32, i32
  }
  func.func @transform_2(%arg0: i32, %arg1: i32) -> (i32, i32, i32, i32) {
    %c0_i32 = arith.constant 0 : i32
    %c0_i32_0 = arith.constant 0 : i32
    %c0_i32_1 = arith.constant 0 : i32
    return %arg0, %arg1, %c0_i32, %c0_i32_0 : i32, i32, i32, i32
  }
  func.func @transform_3(%arg0: i32, %arg1: i32) -> (i32, i32, i32, i32) {
    %c0_i32 = arith.constant 0 : i32
    %c0_i32_0 = arith.constant 0 : i32
    %c0_i32_1 = arith.constant 0 : i32
    return %arg0, %arg1, %c0_i32, %c0_i32_0 : i32, i32, i32, i32
  }
  func.func @transform_4(%arg0: i32, %arg1: i32) -> (i32, i32, i32, i32) {
    %c0_i32 = arith.constant 0 : i32
    %c0_i32_0 = arith.constant 0 : i32
    %c0_i32_1 = arith.constant 0 : i32
    return %arg0, %arg1, %c0_i32, %c0_i32_0 : i32, i32, i32, i32
  }
  func.func @transform_5(%arg0: i32, %arg1: i32) -> (i32, i32) {
    %c0_i32 = arith.constant 0 : i32
    %c0_i32_0 = arith.constant 0 : i32
    %c0_i32_1 = arith.constant 0 : i32
    return %c0_i32, %c0_i32_0 : i32, i32
  }
  func.func @transform_6(%arg0: i32, %arg1: i32) -> (i32, i32) {
    %c0_i32 = arith.constant 0 : i32
    %c0_i32_0 = arith.constant 0 : i32
    return %arg1, %c0_i32 : i32, i32
  }
  func.func @transform_7(%arg0: i32, %arg1: i32) -> (i32, i32) {
    %c0_i32 = arith.constant 0 : i32
    %c0_i32_0 = arith.constant 0 : i32
    %c0_i32_1 = arith.constant 0 : i32
    return %c0_i32, %c0_i32_0 : i32, i32
  }
  func.func @transform_8(%arg0: i32, %arg1: i32) -> (i32, i32, i32, i32) {
    %c0_i32 = arith.constant 0 : i32
    %c0_i32_0 = arith.constant 0 : i32
    %c0_i32_1 = arith.constant 0 : i32
    return %arg0, %arg1, %c0_i32, %c0_i32_0 : i32, i32, i32, i32
  }
  func.func @transform_9(%arg0: i32, %arg1: i32) -> (i32, i32, i32, i32) {
    %c0_i32 = arith.constant 0 : i32
    %c0_i32_0 = arith.constant 0 : i32
    %c0_i32_1 = arith.constant 0 : i32
    return %arg0, %arg1, %c0_i32, %c0_i32_0 : i32, i32, i32, i32
  }
  func.func @transform_10(%arg0: i32, %arg1: i32) -> (i32, i32, i32) {
    %c0_i32 = arith.constant 0 : i32
    %c0_i32_0 = arith.constant 0 : i32
    %c0_i32_1 = arith.constant 0 : i32
    return %arg0, %c0_i32, %c0_i32_0 : i32, i32, i32
  }
}

</mosaic_0001>

<sc_bundles>
// kernel: kernel.5.cloned.1.call-start
scs
__scs_entry_jumppad:
0x0: {  	(pc) =	sbr.rel $0x88, $3  }
0x1: {  	(tag) =	ssettag $0x0;
	lr =	simm.s32 $0x1  }
0x2: {  	[smem:$0x3F97] =	sst lr;
	_ =	strace $0xD0000000  }
0x3: {  	_ = 	snop  }
0x4: {  	_ = 	snop  }
0x5: {  	_ = 	snop  }
0x6: {  	_ = 	snop  }
0x7: {  	_ = 	snop  }
__scs_overlays_trampoline_lowered:
0x8: {  	[smem:$0x3FA6] =	sst s0  }
0x9: {  	[smem:$0x3FA7] =	sst s1  }
0xa: {  	[smem:$0x3FA8] =	sst s2  }
0xb: {  	[smem:$0x3FA9] =	sst s3  }
0xc: {  	[smem:$0x3FAA] =	sst s4  }
0xd: {  	[smem:$0x3FAB] =	sst s5  }
0xe: {  	[smem:$0x3FAC] =	sst s6  }
0xf: {  	[smem:$0x3FAD] =	sst s7  }
0x10: {  	[smem:$0x3FAE] =	sst s8  }
0x11: {  	[smem:$0x3FAF] =	sst s9;
	s0 =	simm.s32 @!p0 $0x0  }
0x12: {  	s1 =	sld [smem:$0x3F95];
	s0 =	simm.s32 @p0 $0x1  }
0x13: {  	[smem:$0x3FB0] =	sst s0;
	s0 =	simm.s32 @!p1 $0x0  }
0x14: {  	s2 =	sld [smem:$0x3F94];
	s0 =	simm.s32 @p1 $0x1  }
0x15: {  	[smem:$0x3FB1] =	sst s0;
	s0 =	simm.s32 @!p2 $0x0  }
0x16: {  	s3 =	sld [smem:$0x3FDB];
	s0 =	simm.s32 @p2 $0x1  }
0x17: {  	s4 =	simm.s32 $0x1BF5;
	[smem:$0x3FB3] =	sst s0  }
0x18: {  	s0 =	sld [smem:$0x3F96];
	_ =	swait.ge [sflag:s4], $0x0  }
0x19: {  	s7 =	sld [smem:$0x3F97]  }
0x1a: {  	s8 =	sadd.s32 $0xFFFFE003, lr  }
0x1b: {  	s9 =	sadd.s32 $0xFFFFFEF7, lr;
	s5 =	simm.s32 $0xFFFFFFFF;
	p2 =	slt.u32 s8, $0xFFFFF086  }
0x1c: {  	p1 =	slt.u32 s9, $0xF7A;
	s5 =	simm.s32 @!p2 $0x0  }
0x1d: {  	s5 =	simm.s32 @p1 $0x1;
	p0 =	seq.s32 s7, s2  }
0x1e: {  	s7 =	smul.u32 @!p0 $0xF7A, s2;
	p2 =	seq.s32 @!p0 s5, $0x0  }
0x1f: {  	s9 =	smul.u32 $0xF7A, s1;
	s8 =	simm.s32 @!p0 $0x1BF5;
	p2 =	por !p2, p0  }
0x20: {  	[sflag:s8] =	ssyncset.s32 @!p0 $0xFFFFF086;
	s6 =	sadd.s32 @!p0 s3, s7;
	s7 =	simm.s32 @!p0 $0x108  }
0x21: {  	s3 =	sadd.s32 s3, s9;
	s6 =	sadd.s32 @!p0 $0x88, s6;
	s7 =	simm.s32 @p2 $0x1082  }
0x22: {  	[simem:s7], [sflag:s8] =	dma.local @!p0 [hbm:s6], $0xF7A  }
0x23: {  	s9 =	sor.u32 $0xD0000000, s2;
	s6 =	simm.s32 $0x108;
	_ =	swait.ge @!p0 [sflag:s8], $0x0  }
0x24: {  	s3 =	sadd.s32 $0x88, s3;
	s6 =	simm.s32 @!p1 $0x1082;
	[sflag:s4] =	ssyncset.s32 $0xFFFFF086  }
0x25: {  	[simem:s6], [sflag:s4] =	dma.local [hbm:s3], $0xF7A  }
0x26: {  	[smem:$0x3F97] =	sst s1;
	(tag) =	ssettag s2;
	_ =	strace s9  }
0x27: {  	s1 =	sld [smem:$0x3FA7]  }
0x28: {  	s2 =	sld [smem:$0x3FA8]  }
0x29: {  	s4 =	sld [smem:$0x3FAA]  }
0x2a: {  	p0 =	seq.s32 s5, $0x0;
	s5 =	sld [smem:$0x3FAB]  }
0x2b: {  	s6 =	sld [smem:$0x3FAC]  }
0x2c: {  	s7 =	sld [smem:$0x3FAD]  }
0x2d: {  	s3 =	simm.s32 $0x108;
	s8 =	sld [smem:$0x3FAE]  }
0x2e: {  	s3 =	simm.s32 @!p0 $0x1082;
	s9 =	sld [smem:$0x3FAF]  }
0x2f: {  	lr =	sadd.s32 s0, s3;
	s0 =	sld [smem:$0x3FA6]  }
0x30: {  	s3 =	sld [smem:$0x3FA9]  }
0x31: {  	[smem:$0x3FB2] =	sst s10  }
0x32: {  	s10 =	sld [smem:$0x3FB0];
	_ =	sdelay $0x3  }
0x33: {  	p0 =	seq.s32 s10, $0x1;
	s10 =	sld [smem:$0x3FB2];
	_ =	sdelay $0x3  }
0x34: {  	[smem:$0x3FB2] =	sst s10  }
0x35: {  	s10 =	sld [smem:$0x3FB1];
	_ =	sdelay $0x3  }
0x36: {  	p1 =	seq.s32 s10, $0x1;
	s10 =	sld [smem:$0x3FB2];
	_ =	sdelay $0x3  }
0x37: {  	[smem:$0x3FB2] =	sst s10  }
0x38: {  	s10 =	sld [smem:$0x3FB3]  }
0x39: {  	_ = 	snop;
	(pc) =	sbr.ind lr, $3  }
0x3a: {  	_ = 	snop  }
0x3b: {  	_ = 	snop  }
0x3c: {  	p2 =	seq.s32 s10, $0x1;
	s10 =	sld [smem:$0x3FB2]  }
0x3d: {  	_ =	shalt  }
0x3e: {  	_ =	shalt  }
0x3f: {  	_ =	shalt  }
0x40: {  	_ =	shalt  }
0x41: {  	_ =	shalt  }
0x42: {  	_ =	shalt  }
0x43: {  	_ =	shalt  }
0x44: {  	_ =	shalt  }
0x45: {  	_ =	shalt  }
0x46: {  	_ =	shalt  }
0x47: {  	_ =	shalt  }
0x48: {  	_ =	shalt  }
0x49: {  	_ =	shalt  }
0x4a: {  	_ =	shalt  }
0x4b: {  	_ =	shalt  }
0x4c: {  	_ =	shalt  }
0x4d: {  	_ =	shalt  }
0x4e: {  	_ =	shalt  }
0x4f: {  	_ =	shalt  }
0x50: {  	_ =	shalt  }
0x51: {  	_ =	shalt  }
0x52: {  	_ =	shalt  }
0x53: {  	_ =	shalt  }
0x54: {  	_ =	shalt  }
0x55: {  	_ =	shalt  }
0x56: {  	_ =	shalt  }
0x57: {  	_ =	shalt  }
0x58: {  	_ =	shalt  }
0x59: {  	_ =	shalt  }
0x5a: {  	_ =	shalt  }
0x5b: {  	_ =	shalt  }
0x5c: {  	_ =	shalt  }
0x5d: {  	_ =	shalt  }
0x5e: {  	_ =	shalt  }
0x5f: {  	_ =	shalt  }
0x60: {  	_ =	shalt  }
0x61: {  	_ =	shalt  }
0x62: {  	_ =	shalt  }
0x63: {  	_ =	shalt  }
0x64: {  	_ =	shalt  }
0x65: {  	_ =	shalt  }
0x66: {  	_ =	shalt  }
0x67: {  	_ =	shalt  }
0x68: {  	_ =	shalt  }
0x69: {  	_ =	shalt  }
0x6a: {  	_ =	shalt  }
0x6b: {  	_ =	shalt  }
0x6c: {  	_ =	shalt  }
0x6d: {  	_ =	shalt  }
0x6e: {  	_ =	shalt  }
0x6f: {  	_ =	shalt  }
0x70: {  	_ =	shalt  }
0x71: {  	_ =	shalt  }
0x72: {  	_ =	shalt  }
0x73: {  	_ =	shalt  }
0x74: {  	_ =	shalt  }
0x75: {  	_ =	shalt  }
0x76: {  	_ =	shalt  }
0x77: {  	_ =	shalt  }
0x78: {  	_ =	shalt  }
0x79: {  	_ =	shalt  }
0x7a: {  	_ =	shalt  }
0x7b: {  	_ =	shalt  }
0x7c: {  	_ =	shalt  }
0x7d: {  	_ =	shalt  }
0x7e: {  	_ =	shalt  }
0x7f: {  	_ =	shalt  }
0x80: {  	_ =	shalt  }
0x81: {  	_ =	shalt  }
0x82: {  	_ =	shalt  }
0x83: {  	_ =	shalt  }
0x84: {  	_ =	shalt  }
0x85: {  	_ =	shalt  }
0x86: {  	_ =	shalt  }
0x87: {  	_ =	shalt  }
.Lfunc_end0:
.L_simem_size_0:
called_computation_lowered:
.L_overlay_start_0:
0x88: {  	s2 =	sld [smem:$0x3FD9]  }
0x89: {  	s3 =	sld [smem:$0x3FFE];
	_ =	sdelay $0x1  }
0x8a: {  	s1 =	srdreg.scid  }
0x8b: {  	s0 =	sand.u32 $0x1, s1  }
0x8c: {  	s14 =	sshll.u32 s0, $0xA;
	s2 =	sadd.s32 s3, s2  }
0x8d: {  	s2 =	sadd.s32 s2, s14  }
0x8e: {  	[smem:$0x3FBE] =	sst s2  }
0x8f: {  	_ = 	snop  }
0x90: {  	s2 =	sld [smem:$0x3FD0];
	_ =	sdelay $0x2  }
0x91: {  	s15 =	simm.s32 $0xA;
	s4 =	simm.s32 $0x10  }
0x92: {  	[smem:s4], [sflag:s15] =	dma.local [hbm:s2], $0x1  }
0x93: {  	_ =	swait.eq [sflag:s15], $0x1  }
0x94: {  	[sflag:s15] =	ssyncset.done $0x0  }
0x95: {  	[sflag:s15] =	ssyncadd.s32 $0xFFFFFFFF  }
0x96: {  	s16 =	sld [smem:$0x10];
	(tm) =	ssettm $0x1  }
0x97: {  	s17 =	sld [smem:$0x3FFB];
	_ =	sdelay $0x3  }
0x98: {  	_ =	strace s17  }
0x99: {  	s3 =	sld [smem:$0x3FFC];
	_ =	sdelay $0x3  }
0x9a: {  	_ =	strace s3  }
0x9b: {  	s3 =	sld [smem:$0x3FFD];
	_ =	sdelay $0x3  }
0x9c: {  	_ =	strace s3  }
0x9d: {  	_ =	strace $0x8FFFFFFF  }
0x9e: {  	s18 =	sld [smem:$0x3FDB];
	_ =	sdelay $0x1  }
0x9f: {  	s19 =	simm.s32 $_scs_section_size  }
0xa0: {  	s5 =	simm.s32 $_size__tile_overlayer_lowered;
	s6 =	simm.s32 $_tile_overlayer_lowered  }
0xa1: {  	s22 =	simm.s32 $0x1BFF;
	s21 =	sshll.u32 s6, $0x1;
	s3 =	sadd.s32 s19, s18  }
0xa2: {  	s7 =	simm.s32 $0x0;
	s20 =	sshll.u32 s5, $0x1;
	s5 =	sadd.s32 s21, s3  }
0xa3: {  	[timem:s7], [sflag:s22] =	dma.local [hbm:s5], s20  }
0xa4: {  	_ =	swait.ge [sflag:s22], s20  }
0xa5: {  	s4 =	ssub.s32 $0x0, s20;
	[sflag:s22] =	ssyncset.done $0x0  }
0xa6: {  	[sflag:s22] =	ssyncadd.s32 s4;
	_ =	sdelay $0x1  }
0xa7: {  	s23 =	simm.s32 $0x1B8B  }
0xa8: {  	_ =	swait.ge [sflag:s23], $0x1  }
0xa9: {  	[sflag:s23] =	ssyncset.done $0x0  }
0xaa: {  	s25 =	simm.s32 $0x1B8E;
	s24 =	sld [smem:$0x3FFE];
	[sflag:s23] =	ssyncadd.s32 $0xFFFFFFFF  }
0xab: {  	s26 =	simm.s32 $execute0_lowered;
	[smem:$0x3FD2] =	sst s25  }
0xac: {  	s5 =	sshll.u32 s26, $0x1;
	_ =	strace $0x80000046;
	[dreg:$0x1] =	wrdreg $0xFFFFFFFF  }
0xad: {  	s28 =	simm.s32 $_size_execute0_lowered;
	s3 =	sadd.s32 s3, s5;
	[dreg:$0x0] =	wrdreg $0x0  }
0xae: {  	s5 =	sshll.u32 s28, $0x1;
	[dreg:$0x2] =	wrdreg s3  }
0xaf: {  	[dreg:$0x3] =	wrdreg s5  }
0xb0: {  	[dreg:$0x4] =	wrdreg $0xC0  }
0xb1: {  	_ =	task [dreg:s7], $0x5FFFF  }
0xb2: {  	[dreg:$0x1] =	wrdreg $0xFFFFFFFF  }
0xb3: {  	[dreg:$0x0] =	wrdreg $0x60  }
0xb4: {  	[dreg:$0x2] =	wrdreg s16  }
0xb5: {  	[dreg:$0x3] =	wrdreg s24  }
0xb6: {  	[dreg:$0x4] =	wrdreg $0x9  }
0xb7: {  	_ =	task.clear_ibuf [dreg:s7], $0x5FFFF;
	_ =	strace $0x90000046  }
0xb8: {  	s29 =	simm.s32 $0x9;
	_ =	strace $0x80000048  }
0xb9: {  	_ =	swait.ge [sflag:s29], $0x1  }
0xba: {  	[sflag:s29] =	ssyncadd.s32 $0xFFFFFFFF  }
0xbb: {  	_ =	strace $0x90000048  }
0xbc: {  	_ =	sfence  }
0xbd: {  	s30 =	sld [smem:$0x0];
	_ =	sdelay $0x2  }
0xbe: {  	s31 =	sshll.u32 s1, $0xD;
	s1 =	sshrl.u32 s1, $0x2  }
0xbf: {  	s3 =	sand.u32 $0x4000, s31;
	s1 =	sadd.s32 s1, s30  }
0xc0: {  	s0 =	sor.u32 s3, s0;
	s1 =	sshll.u32 s1, $0x11  }
0xc1: {  	s0 =	sor.u32 s1, s0  }
0xc2: {  	s0 =	sadd.s32 $0x8F2B, s0  }
0xc3: {  	[sflag:s0] =	ssyncadd.remote.s32 $0x1  }
0xc4: {  	_ =	sfence.sel $0xFFFF  }
0xc5: {  	[dreg:$0x0] =	wrdreg $0xFFFFFFFF;
	(pc) =	sbr.abs _section_cstart, $3  }
0xc6: {  	[dreg:$0x1] =	wrdreg $0xFFFFFFFF  }
0xc7: {  	_ =	task.clear_ibuf [dreg:s7], $0x2FFFF;
	_ =	strace $0x9FFFFFFF  }
0xc8: {  	(tm) =	ssettm $0x7FFFFFFF  }
0xc9: {  	_ =	shalt  }
tec
execute0_lowered:
.L_overlay_start_1:
0x0: {  	(tag) =	ssettag $0x1  }
0x1: {  	s1 =	rddreg [dreg:$0x0]  }
0x2: {  	s4 =	rddreg [dreg:$0x1]  }
0x3: {  	s0 =	rddreg [dreg:$0x2];
	s5 =	srdreg.scid  }
0x4: {  	s3 =	simm.s32 $0x0;
	s2 =	stileid.u32;
	s9 =	simm.s32 $0x1  }
0x5: {  	s10 =	simm.s32 $0x40000000;
	s11 =	simm.s32 $0x280;
	s5 =	sand.u32 $0x1, s5  }
0x6: {  	[smem:$0x7FF] =	sst s3;
	s7 =	sshll.u32 s2, $0x1;
	s6 =	ssub.s32 $0x2, s5  }
0x7: {  	s4 =	sadd.s32 $0x79000, s4;
	_ =	strace $0x80000047;
	s8 =	sshrl.u32 s6, $0x1  }
0x8: {  	s5 =	sor.u32 s5, s7;
	s7 =	simm.s32 $0x80;
	s6 =	ssub.s32 s6, s8  }
0x9: {  	v0 =	vimm.s32 $0x0;
	v1 =	vimm.f32 $1.000000000e+00;
	s5 =	smul.u32 $0x3, s5;
	s8 =	simm.s32 $0x400;
	s6 =	smax.u32 s6, $0x1  }
.LBB2_1:
0xa: {  	s12 =	simm.s32 $0x0  }
.LBB2_2:
0xb: {  	s13 =	sadd.s32 s5, s12  }
0xc: {  	s14 =	sshrl.u32 s13, $0x3  }
0xd: {  	s13 =	sshll.u32 s13, $0x7;
	s14 =	smul.u32 $0x1400, s14  }
0xe: {  	s13 =	sand.u32 $0x380, s13  }
0xf: {  	s13 =	sor.u32 s13, s14  }
0x10: {  	s13 =	sshrl.u32 s13, $0x3  }
0x11: {  	s14 =	simm.s32 $0x0;
	s15 =	sadd.s32 s1, s13  }
0x12: {  	[tilespmem:s14], [sflag:$0x1] =	stream.strided.gather [hbm4b:s15+s7], $0x280, s8, s7, $0x38;
	[tilespmem:$0x580] =	vst v63  }
0x13: {  	_ =	swait.ge [sflag:s9], $0x280  }
0x14: {  	[sflag:s9] =	ssyncset.done $0x0  }
0x15: {  	v2 =	vimm.s32 $0x0;
	[sflag:s9] =	ssyncadd.s32 $0xFFFFFD80  }
.LBB2_3:
0x16: {  	s16 =	simm.s32 $0x0  }
0x17: {  	s15 =	sshrl.u32 s10, s14;
	v5 =	vld [tilespmem:s16+$0x0]  }
0x18: {  	v4 =	vimm.s32 $0x0;
	v3 =	vor.u32 s15, v2;
	s15 =	simm.s32 $0x40  }
.LBB2_4:
0x19: {  	p0 =	sne.s32 s15, $0x900  }
.Ltmp0:
0x1a: {  	_ = 	snop;
	(pc) =	sbr.rel @p0 .LBB2_4-.Ltmp0, $4  }
0x1b: {  	_ = 	snop  }
0x1c: {  	s16 =	sshra.s32 s15, $0x2;
	s15 =	sadd.s32 $0x40, s15;
	vm0 =	vle.s32 v5, v3  }
0x1d: {  	v5 =	vld [tilespmem:s16+$0x0];
	v6 =	vsel vm0, $0x1, v0  }
0x1e: {  	v4 =	vadd.s32 v6, v4  }
0x1f: {  	_ =	sdelay $0x2  }
0x20: {  	vm0 =	vle.s32 v5, v3  }
0x21: {  	v5 =	vsel vm0, $0x1, v0  }
0x22: {  	v4 =	vadd.s32 v5, v4  }
0x23: {  	[tilespmem:$0x500] =	vst v4  }
0x24: {  	[tilespmem:$0x510] =	vst v4  }
0x25: {  	v60 =	vld [tilespmem:$0x508];
	_ =	sdelay $0x4  }
0x26: {  	v4 =	vadd.s32 v4, v60  }
0x27: {  	[tilespmem:$0x500] =	vst v4  }
0x28: {  	[tilespmem:$0x510] =	vst v4  }
0x29: {  	v61 =	vld [tilespmem:$0x504];
	_ =	sdelay $0x4  }
0x2a: {  	v4 =	vadd.s32 v4, v61  }
0x2b: {  	[tilespmem:$0x500] =	vst v4  }
0x2c: {  	[tilespmem:$0x510] =	vst v4  }
0x2d: {  	v62 =	vld [tilespmem:$0x502];
	_ =	sdelay $0x4  }
0x2e: {  	v4 =	vadd.s32 v4, v62  }
0x2f: {  	[tilespmem:$0x500] =	vst v4  }
0x30: {  	[tilespmem:$0x510] =	vst v4  }
0x31: {  	v63 =	vld [tilespmem:$0x501]  }
0x32: {  	s14 =	sadd.s32 $0x1, s14  }
0x33: {  	p0 =	sne.s32 s14, $0x1F  }
.Ltmp1:
0x34: {  	_ = 	snop;
	(pc) =	sbr.rel @p0 .LBB2_3-.Ltmp1, $4  }
0x35: {  	_ = 	snop  }
0x36: {  	v4 =	vadd.s32 v4, v63  }
0x37: {  	vm15 =	vgt.s32 v4, $0x1F  }
0x38: {  	v2 =	vsel vm15, v2, v3  }
0x39: {  	s14 =	simm.s32 $0x0  }
0x3a: {  	v3 =	vld [tilespmem:s14+$0x0]  }
0x3b: {  	v2 =	vadd.s32 $0x1, v2;
	s15 =	simm.s32 $0x40  }
.LBB2_7:
0x3c: {  	p0 =	sne.s32 s15, $0x900  }
.Ltmp2:
0x3d: {  	_ = 	snop;
	(pc) =	sbr.rel @p0 .LBB2_7-.Ltmp2, $4  }
0x3e: {  	_ = 	snop  }
0x3f: {  	s16 =	sshra.s32 s15, $0x2;
	s15 =	sadd.s32 $0x40, s15;
	vm0 =	vgt.s32 v3, v2  }
0x40: {  	v3 =	vld [tilespmem:s16+$0x0];
	v4 =	vsel vm0, $0x0, v1  }
0x41: {  	[tilespmem:s14+$0x280] =	vst v4;
	s14 =	smov.u32 s16  }
0x42: {  	_ =	sdelay $0x2  }
0x43: {  	s12 =	sadd.s32 $0x1, s12;
	vm0 =	vgt.s32 v3, v2  }
0x44: {  	p0 =	sne.s32 s12, $0x3;
	v2 =	vsel vm0, $0x0, v1  }
.Ltmp3:
0x45: {  	s13 =	sadd.s32 s4, s13;
	[tilespmem:s14+$0x280] =	vst v2;
	(pc) =	sbr.rel @p0 .LBB2_2-.Ltmp3, $4  }
0x46: {  	[hbm4b:s13+s7] =	stream.strided.scatter [tilespmem:s11], [sflag:$0x1], $0x280, s8, s7, $0x38;
	[tilespmem:$0x580] =	vst v63  }
0x47: {  	_ =	swait.ge [sflag:s9], $0x280  }
0x48: {  	[sflag:s9] =	ssyncset.done $0x0  }
0x49: {  	[sflag:s9] =	ssyncadd.s32 $0xFFFFFD80  }
0x4a: {  	s3 =	sadd.s32 $0x1, s3  }
0x4b: {  	p0 =	sne.s32 s3, s6  }
.Ltmp4:
0x4c: {  	_ = 	snop;
	(pc) =	sbr.rel @p0 .LBB2_1-.Ltmp4, $1  }
0x4d: {  	_ =	sdelay $0x3  }
0x4e: {  	_ =	sfence.sel $0x180000  }
0x4f: {  	[bflag:$0x0] =	sbarrier.arrive $0xFFFF  }
0x50: {  	p0 =	sne.s32 s2, $0x0;
	_ =	strace $0x90000047  }
0x51: {  	s0 =	sadd.s32 @!p0 $0x100000, s0;
	[bflag:$0x2] =	sbarrier.arrive $0xFFFF  }
0x52: {  	[sflag:s0] =	ssyncadd.tile.s32 @!p0 $0x1;
	_ =	shalt  }
.Lfunc_end2:
_tile_overlayer_lowered:
.L_overlay_start_2:
0x53: {  	(tag) =	ssettag $0x2  }
0x54: {  	s0 =	rddreg [dreg:$0x0];
	s2 =	stileid.u32  }
0x55: {  	s1 =	rddreg [dreg:$0x1];
	p0 =	sne.s32 s2, $0x0  }
0x56: {  	s3 =	rddreg [dreg:$0x2];
	[bflag:$0x3] =	sbarrier.arrive $0xFFFF;
	s2 =	simm.s32 @!p0 $0x1C01  }
0x57: {  	[timem:s3], [sflag:s2] =	dma.local @!p0 [hbm:s0], s1  }
0x58: {  	s0 =	simm.s32 @!p0 $0x1  }
0x59: {  	_ =	swait.ge @!p0 [sflag:s0], s1  }
0x5a: {  	s1 =	ssub.s32 @!p0 $0x0, s1;
	[sflag:s0] =	ssyncset.done @!p0 $0x0  }
0x5b: {  	[sflag:s0] =	ssyncadd.s32 @!p0 s1  }
0x5c: {  	[bflag:$0x3] =	sbarrier.arrive $0xFFFF  }
0x5d: {  	_ =	shalt  }

</sc_bundles>
